<compile_context>
chip_gen: v7x
topology: tpu7x:2x2x1
jax: 0.10.2.dev20260603
libtpu: 0.0.44.dev20260713+nightly
codegen_flags: <defaults>
</compile_context>

<pallas_src>
import functools

import jax
import jax.numpy as jnp
from jax import lax
from jax.experimental import pallas as pl
from jax.experimental.pallas import tpu as pltpu
from jax.experimental.pallas import tpu_sc as plsc

B = 4
NQ = 8192
NK = 2048
C = 32
CP = 33
TQ = 4096
NW = 32
QPW = B * NQ // NW
L = 16
BIAS = 0.03125
SW = 256
NSL = NK // SW


def _tc_topk_body(k_ref, q_ref, i1_ref, i2_ref, i3_ref, w1_ref, w2_ref, w3_ref):
    ks = k_ref[0] * jnp.float32(-2.0)
    qt = q_ref[0]
    kk = jnp.sum(ks * ks, axis=1, keepdims=True) * jnp.float32(0.25)
    qq = jnp.sum(qt * qt, axis=0, keepdims=True) + jnp.float32(BIAS)
    d2 = jnp.dot(ks, qt, preferred_element_type=jnp.float32) + kk + qq
    ki = lax.bitcast_convert_type(d2, jnp.int32)

    mask = jnp.int32(-8)
    big = jnp.full((SW, TQ), jnp.float32(jnp.inf))
    a1, a2, a3 = big, big, big
    for s in range(NSL):
        x = lax.bitcast_convert_type(
            (ki[s * SW:(s + 1) * SW, :] & mask) | s, jnp.float32)
        hi = jnp.maximum(a1, x)
        a1 = jnp.minimum(a1, x)
        hi2 = jnp.maximum(a2, hi)
        a2 = jnp.minimum(a2, hi)
        a3 = jnp.minimum(a3, hi2)

    row = lax.broadcasted_iota(jnp.int32, (SW, TQ), 0).astype(jnp.float32)
    h, nxt = a1, a2
    keys, rows = [], []
    for _ in range(3):
        m = jnp.min(h, axis=0, keepdims=True)
        l = jnp.min(jnp.where(h == m, row, float(SW)), axis=0, keepdims=True)
        keys.append(lax.bitcast_convert_type(m, jnp.int32))
        rows.append(l)
        hit = row == l
        h = jnp.where(hit, nxt, h)
        nxt = jnp.where(hit, a3, nxt)

    cols = [(k & 7) * SW + l.astype(jnp.int32)
            for k, l in zip(keys, rows)]
    unpack = lambda k: jnp.maximum(
        lax.bitcast_convert_type(k & mask, jnp.float32) - jnp.float32(BIAS),
        1e-10)
    w1 = 1.0 / unpack(keys[0])
    w2 = 1.0 / unpack(keys[1])
    w3 = 1.0 / unpack(keys[2])
    s = w1 + w2 + w3
    i1_ref[0] = cols[0]
    i2_ref[0] = cols[1]
    i3_ref[0] = cols[2]
    w1_ref[0] = w1 / s
    w2_ref[0] = w2 / s
    w3_ref[0] = w3 / s


def _tc_topk(k3, qt3, interpret=False):
    grid = (B, NQ // TQ)
    nblk = B * NQ // TQ
    out = pl.pallas_call(
        _tc_topk_body,
        grid=grid,
        in_specs=[
            pl.BlockSpec((1, NK, 3), lambda b, i: (b, 0, 0)),
            pl.BlockSpec((1, 3, TQ), lambda b, i: (b, 0, i)),
        ],
        out_specs=[pl.BlockSpec((1, 1, TQ), lambda b, i: (b * (NQ // TQ) + i, 0, 0))] * 6,
        out_shape=[
            jax.ShapeDtypeStruct((nblk, 1, TQ), jnp.int32),
            jax.ShapeDtypeStruct((nblk, 1, TQ), jnp.int32),
            jax.ShapeDtypeStruct((nblk, 1, TQ), jnp.int32),
            jax.ShapeDtypeStruct((nblk, 1, TQ), jnp.float32),
            jax.ShapeDtypeStruct((nblk, 1, TQ), jnp.float32),
            jax.ShapeDtypeStruct((nblk, 1, TQ), jnp.float32),
        ],
        compiler_params=pltpu.CompilerParams(
            dimension_semantics=("parallel", "parallel"),
        ),
        interpret=interpret,
    )(k3, qt3)
    return out


def _sc_body(i1, i2, i3, w1, w2, w3, vk, out,
             vk_v, i1_v, i2_v, i3_v, w1_v, w2_v, w3_v, out_v):
    cidx = lax.axis_index("c")
    sidx = lax.axis_index("s")
    wid = sidx * 2 + cidx
    b = wid // (NW // B)
    base = wid * QPW

    pltpu.sync_copy(vk.at[b], vk_v)
    pltpu.sync_copy(i1.at[pl.ds(base, QPW)], i1_v)
    pltpu.sync_copy(i2.at[pl.ds(base, QPW)], i2_v)
    pltpu.sync_copy(i3.at[pl.ds(base, QPW)], i3_v)
    pltpu.sync_copy(w1.at[pl.ds(base, QPW)], w1_v)
    pltpu.sync_copy(w2.at[pl.ds(base, QPW)], w2_v)
    pltpu.sync_copy(w3.at[pl.ds(base, QPW)], w3_v)

    def group(g, carry):
        q0 = g * L
        ia = i1_v[pl.ds(q0, L)] * CP
        ib = i2_v[pl.ds(q0, L)] * CP
        ic = i3_v[pl.ds(q0, L)] * CP
        wa = w1_v[pl.ds(q0, L)]
        wb = w2_v[pl.ds(q0, L)]
        wc = w3_v[pl.ds(q0, L)]
        for ch in range(C):
            va = plsc.load_gather(vk_v, [ia + ch])
            vb = plsc.load_gather(vk_v, [ib + ch])
            vc = plsc.load_gather(vk_v, [ic + ch])
            acc = wa * va + wb * vb + wc * vc
            out_v[pl.ds(ch * QPW + q0, L)] = acc
        return carry

    lax.fori_loop(0, QPW // L, group, 0)
    pltpu.sync_copy(out_v, out.at[pl.ds(wid * QPW * C, QPW * C)])


@functools.cache
def _sc_combine_fn():
    return functools.partial(
        pl.kernel,
        mesh=plsc.VectorSubcoreMesh(core_axis_name="c", subcore_axis_name="s"),
        out_type=jax.ShapeDtypeStruct((NW * C * QPW,), jnp.float32),
        scratch_types=[
            pltpu.VMEM((NK * CP,), jnp.float32),
            pltpu.VMEM((QPW,), jnp.int32),
            pltpu.VMEM((QPW,), jnp.int32),
            pltpu.VMEM((QPW,), jnp.int32),
            pltpu.VMEM((QPW,), jnp.float32),
            pltpu.VMEM((QPW,), jnp.float32),
            pltpu.VMEM((QPW,), jnp.float32),
            pltpu.VMEM((QPW * C,), jnp.float32),
        ],
        compiler_params=pltpu.CompilerParams(needs_layout_passes=False),
    )(_sc_body)


@jax.jit
def kernel(xyz_q, xyz_k, v_k):
    qt3 = jnp.swapaxes(xyz_q, 1, 2)
    i1, i2, i3, w1, w2, w3 = _tc_topk(xyz_k, qt3)
    vkp = jnp.concatenate(
        [v_k, jnp.zeros((B, NK, CP - C), jnp.float32)], axis=-1)
    flat = lambda x: x.reshape(B * NQ)
    out = _sc_combine_fn()(flat(i1), flat(i2), flat(i3),
                           flat(w1), flat(w2), flat(w3),
                           vkp.reshape(B, NK * CP))
    out = out.reshape(B, NW // B, C, QPW).transpose(0, 1, 3, 2)
    return out.reshape(B, NQ, C)

# --- scband reference (transcript-rebuilt; emitter-appended) ---
"""Pipeline reference for scband-point-net-feature-propagation-12386685681902 (READ-ONLY COPY).

The authoritative reference and input builder live on the scoring server;
editing this copy changes nothing except your own understanding.
"""

import jax, jax.numpy as jnp
import numpy as np

N_NEIGHBORS = 3

def square_distance(src, dst):
    dist = -2.0 * jnp.matmul(src, jnp.swapaxes(dst, 1, 2))
    dist = dist + jnp.sum(src ** 2, -1)[:, :, None]
    dist = dist + jnp.sum(dst ** 2, -1)[:, None, :]
    return dist

def setup_inputs(seed: int = 0) -> dict:
    key = jax.random.key(seed)
    k1, k2, k3 = jax.random.split(key, 3)
    xyz_q = jax.random.uniform(k1, (4, 8192, 3), dtype=jnp.float32)
    xyz_k = jax.random.uniform(k2, (4, 2048, 3), dtype=jnp.float32)
    v_k = jax.random.normal(k3, (4, 2048, 32), dtype=jnp.float32)
    return {"xyz_q": xyz_q, "xyz_k": xyz_k, "v_k": v_k}

def reference(xyz_q, xyz_k, v_k):
    B, N_q, _ = xyz_q.shape
    # knn_point: top-k smallest squared distances
    sqrdists = square_distance(xyz_q, xyz_k)
    _, idx = jax.lax.top_k(-sqrdists, N_NEIGHBORS)
    # gather nearest distances (torch.gather dim=2)
    dist_nearest = jnp.take_along_axis(sqrdists, idx, axis=2)
    dist_nearest = jnp.maximum(dist_nearest, 1e-10)
    weights = 1.0 / dist_nearest
    weights = weights / jnp.sum(weights, axis=-1, keepdims=True)
    # index_points: grouped_v[b, n, k, :] = v_k[b, idx[b, n, k], :]
    batch_idx = jnp.arange(B)[:, None, None]
    grouped_v = v_k[batch_idx, idx]
    v_q = jnp.einsum('bnk,bnkc->bnc', weights, grouped_v)
    return v_q

if __name__ == "__main__":
    import jax
    _d = setup_inputs()
    print(jax.jit(kernel)(*tuple(_d.values())))

</pallas_src>

<mosaic_0001>
#map = affine_map<(d0, d1) -> (0)>
#map1 = affine_map<(d0, d1) -> (0, 0)>
module attributes {stable_mosaic.version = 14 : i64} {
  func.func @_sc_body(%arg0: i32, %arg1: i32, %arg2: memref<32768xi32, #tpu.memory_space<hbm>>, %arg3: memref<32768xi32, #tpu.memory_space<hbm>>, %arg4: memref<32768xi32, #tpu.memory_space<hbm>>, %arg5: memref<32768xf32, #tpu.memory_space<hbm>>, %arg6: memref<32768xf32, #tpu.memory_space<hbm>>, %arg7: memref<32768xf32, #tpu.memory_space<hbm>>, %arg8: memref<4x67584xf32, #tpu.memory_space<hbm>>, %arg9: memref<1048576xf32, #tpu.memory_space<hbm>>, %arg10: memref<67584xf32, #tpu.memory_space<vmem>>, %arg11: memref<1024xi32, #tpu.memory_space<vmem>>, %arg12: memref<1024xi32, #tpu.memory_space<vmem>>, %arg13: memref<1024xi32, #tpu.memory_space<vmem>>, %arg14: memref<1024xf32, #tpu.memory_space<vmem>>, %arg15: memref<1024xf32, #tpu.memory_space<vmem>>, %arg16: memref<1024xf32, #tpu.memory_space<vmem>>, %arg17: memref<32768xf32, #tpu.memory_space<vmem>>) attributes {dimension_semantics = [#tpu.dimension_semantics<core_parallel>, #tpu.dimension_semantics<subcore_parallel>], iteration_bounds = array<i64: 2, 16>, scalar_prefetch = 0 : i64, scratch_operands = 8 : i64, tpu.core_type = #tpu.core_type<sc_vector_subcore>, window_params = [{transform_indices = #map}, {transform_indices = #map}, {transform_indices = #map}, {transform_indices = #map}, {transform_indices = #map}, {transform_indices = #map}, {transform_indices = #map1}, {transform_indices = #map}]} {
    %mul3A = arith.constant 2 : i32
    %mul3A_0 = arith.muli %arg1, %mul3A : i32
    %add3A = arith.addi %mul3A_0, %arg0 : i32
    %jit3A = arith.constant 8 : i32
    %div3A = arith.divsi %add3A, %jit3A : i32
    %sign3A = arith.constant 0 : i32
    %sign3A_1 = arith.cmpi sgt, %add3A, %sign3A : i32
    %sign3A_2 = arith.extui %sign3A_1 : i1 to i32
    %sign3A_3 = arith.constant 0 : i32
    %sign3A_4 = arith.cmpi slt, %add3A, %sign3A_3 : i32
    %sign3A_5 = arith.extui %sign3A_4 : i1 to i32
    %sign3A_6 = arith.subi %sign3A_2, %sign3A_5 : i32
    %sign3A_7 = arith.constant 0 : i32
    %sign3A_8 = arith.cmpi sgt, %jit3A, %sign3A_7 : i32
    %sign3A_9 = arith.extui %sign3A_8 : i1 to i32
    %sign3A_10 = arith.constant 0 : i32
    %sign3A_11 = arith.cmpi slt, %jit3A, %sign3A_10 : i32
    %sign3A_12 = arith.extui %sign3A_11 : i1 to i32
    %sign3A_13 = arith.subi %sign3A_9, %sign3A_12 : i32
    %ne3A = arith.cmpi ne, %sign3A_6, %sign3A_13 : i32
    %rem3A = arith.remsi %add3A, %jit3A : i32
    %ne3A_14 = arith.constant 0 : i32
    %ne3A_15 = arith.cmpi ne, %rem3A, %ne3A_14 : i32
    %and3A = arith.andi %ne3A, %ne3A_15 : i1
    %sub3A = arith.constant 1 : i32
    %sub3A_16 = arith.subi %div3A, %sub3A : i32
    %select_n3A = arith.select %and3A, %sub3A_16, %div3A : i32
    %mul3A_17 = arith.constant 1024 : i32
    %mul3A_18 = arith.muli %add3A, %mul3A_17 : i32
    "tpu.region"() ({
      %run_scoped3A = tpu.sem_alloc : memref<!tpu.dma_semaphore, #tpu.memory_space<semaphore_mem>>
      %dma_start3A = arith.constant 0 : i32
      %dma_start3A_28 = tpu.memref_slice %arg8[%select_n3A, %dma_start3A] : memref<4x67584xf32, #tpu.memory_space<hbm>> -> memref<1x67584xf32, #tpu.memory_space<hbm>>
      %dma_start3A_29 = tpu.memref_squeeze %dma_start3A_28 : memref<1x67584xf32, #tpu.memory_space<hbm>> -> memref<67584xf32, #tpu.memory_space<hbm>>
      %dma_start3A_30 = arith.constant 0 : i32
      %dma_start3A_31 = tpu.memref_slice %arg8[%select_n3A, %dma_start3A_30] : memref<4x67584xf32, #tpu.memory_space<hbm>> -> memref<1x67584xf32, #tpu.memory_space<hbm>>
      %dma_start3A_32 = tpu.memref_squeeze %dma_start3A_31 : memref<1x67584xf32, #tpu.memory_space<hbm>> -> memref<67584xf32, #tpu.memory_space<hbm>>
      tpu.enqueue_dma source(%dma_start3A_32 : memref<67584xf32, #tpu.memory_space<hbm>>) target(%arg10 : memref<67584xf32, #tpu.memory_space<vmem>>) target_semaphore(%run_scoped3A : memref<!tpu.dma_semaphore, #tpu.memory_space<semaphore_mem>>)
      %dma_wait3A = arith.constant 0 : i32
      %dma_wait3A_33 = tpu.memref_slice %arg8[%select_n3A, %dma_wait3A] : memref<4x67584xf32, #tpu.memory_space<hbm>> -> memref<1x67584xf32, #tpu.memory_space<hbm>>
      %dma_wait3A_34 = tpu.memref_squeeze %dma_wait3A_33 : memref<1x67584xf32, #tpu.memory_space<hbm>> -> memref<67584xf32, #tpu.memory_space<hbm>>
      %dma_wait3A_35 = arith.constant 0 : i32
      %dma_wait3A_36 = tpu.memref_slice %arg8[%select_n3A, %dma_wait3A_35] : memref<4x67584xf32, #tpu.memory_space<hbm>> -> memref<1x67584xf32, #tpu.memory_space<hbm>>
      %dma_wait3A_37 = tpu.memref_squeeze %dma_wait3A_36 : memref<1x67584xf32, #tpu.memory_space<hbm>> -> memref<67584xf32, #tpu.memory_space<hbm>>
      tpu.wait_dma2 semaphore(%run_scoped3A : memref<!tpu.dma_semaphore, #tpu.memory_space<semaphore_mem>>) src(%dma_wait3A_37 : memref<67584xf32, #tpu.memory_space<hbm>>) dst(%arg10 : memref<67584xf32, #tpu.memory_space<vmem>>)
      tpu.yield
    }) : () -> ()
    "tpu.region"() ({
      %run_scoped3A = tpu.sem_alloc : memref<!tpu.dma_semaphore, #tpu.memory_space<semaphore_mem>>
      %dma_start3A = tpu.memref_slice %arg2[%mul3A_18] : memref<32768xi32, #tpu.memory_space<hbm>> -> memref<1024xi32, #tpu.memory_space<hbm>>
      %dma_start3A_28 = tpu.memref_slice %arg2[%mul3A_18] : memref<32768xi32, #tpu.memory_space<hbm>> -> memref<1024xi32, #tpu.memory_space<hbm>>
      tpu.enqueue_dma source(%dma_start3A_28 : memref<1024xi32, #tpu.memory_space<hbm>>) target(%arg11 : memref<1024xi32, #tpu.memory_space<vmem>>) target_semaphore(%run_scoped3A : memref<!tpu.dma_semaphore, #tpu.memory_space<semaphore_mem>>)
      %dma_wait3A = tpu.memref_slice %arg2[%mul3A_18] : memref<32768xi32, #tpu.memory_space<hbm>> -> memref<1024xi32, #tpu.memory_space<hbm>>
      %dma_wait3A_29 = tpu.memref_slice %arg2[%mul3A_18] : memref<32768xi32, #tpu.memory_space<hbm>> -> memref<1024xi32, #tpu.memory_space<hbm>>
      tpu.wait_dma2 semaphore(%run_scoped3A : memref<!tpu.dma_semaphore, #tpu.memory_space<semaphore_mem>>) src(%dma_wait3A_29 : memref<1024xi32, #tpu.memory_space<hbm>>) dst(%arg11 : memref<1024xi32, #tpu.memory_space<vmem>>)
      tpu.yield
    }) : () -> ()
    "tpu.region"() ({
      %run_scoped3A = tpu.sem_alloc : memref<!tpu.dma_semaphore, #tpu.memory_space<semaphore_mem>>
      %dma_start3A = tpu.memref_slice %arg3[%mul3A_18] : memref<32768xi32, #tpu.memory_space<hbm>> -> memref<1024xi32, #tpu.memory_space<hbm>>
      %dma_start3A_28 = tpu.memref_slice %arg3[%mul3A_18] : memref<32768xi32, #tpu.memory_space<hbm>> -> memref<1024xi32, #tpu.memory_space<hbm>>
      tpu.enqueue_dma source(%dma_start3A_28 : memref<1024xi32, #tpu.memory_space<hbm>>) target(%arg12 : memref<1024xi32, #tpu.memory_space<vmem>>) target_semaphore(%run_scoped3A : memref<!tpu.dma_semaphore, #tpu.memory_space<semaphore_mem>>)
      %dma_wait3A = tpu.memref_slice %arg3[%mul3A_18] : memref<32768xi32, #tpu.memory_space<hbm>> -> memref<1024xi32, #tpu.memory_space<hbm>>
      %dma_wait3A_29 = tpu.memref_slice %arg3[%mul3A_18] : memref<32768xi32, #tpu.memory_space<hbm>> -> memref<1024xi32, #tpu.memory_space<hbm>>
      tpu.wait_dma2 semaphore(%run_scoped3A : memref<!tpu.dma_semaphore, #tpu.memory_space<semaphore_mem>>) src(%dma_wait3A_29 : memref<1024xi32, #tpu.memory_space<hbm>>) dst(%arg12 : memref<1024xi32, #tpu.memory_space<vmem>>)
      tpu.yield
    }) : () -> ()
    "tpu.region"() ({
      %run_scoped3A = tpu.sem_alloc : memref<!tpu.dma_semaphore, #tpu.memory_space<semaphore_mem>>
      %dma_start3A = tpu.memref_slice %arg4[%mul3A_18] : memref<32768xi32, #tpu.memory_space<hbm>> -> memref<1024xi32, #tpu.memory_space<hbm>>
      %dma_start3A_28 = tpu.memref_slice %arg4[%mul3A_18] : memref<32768xi32, #tpu.memory_space<hbm>> -> memref<1024xi32, #tpu.memory_space<hbm>>
      tpu.enqueue_dma source(%dma_start3A_28 : memref<1024xi32, #tpu.memory_space<hbm>>) target(%arg13 : memref<1024xi32, #tpu.memory_space<vmem>>) target_semaphore(%run_scoped3A : memref<!tpu.dma_semaphore, #tpu.memory_space<semaphore_mem>>)
      %dma_wait3A = tpu.memref_slice %arg4[%mul3A_18] : memref<32768xi32, #tpu.memory_space<hbm>> -> memref<1024xi32, #tpu.memory_space<hbm>>
      %dma_wait3A_29 = tpu.memref_slice %arg4[%mul3A_18] : memref<32768xi32, #tpu.memory_space<hbm>> -> memref<1024xi32, #tpu.memory_space<hbm>>
      tpu.wait_dma2 semaphore(%run_scoped3A : memref<!tpu.dma_semaphore, #tpu.memory_space<semaphore_mem>>) src(%dma_wait3A_29 : memref<1024xi32, #tpu.memory_space<hbm>>) dst(%arg13 : memref<1024xi32, #tpu.memory_space<vmem>>)
      tpu.yield
    }) : () -> ()
    "tpu.region"() ({
      %run_scoped3A = tpu.sem_alloc : memref<!tpu.dma_semaphore, #tpu.memory_space<semaphore_mem>>
      %dma_start3A = tpu.memref_slice %arg5[%mul3A_18] : memref<32768xf32, #tpu.memory_space<hbm>> -> memref<1024xf32, #tpu.memory_space<hbm>>
      %dma_start3A_28 = tpu.memref_slice %arg5[%mul3A_18] : memref<32768xf32, #tpu.memory_space<hbm>> -> memref<1024xf32, #tpu.memory_space<hbm>>
      tpu.enqueue_dma source(%dma_start3A_28 : memref<1024xf32, #tpu.memory_space<hbm>>) target(%arg14 : memref<1024xf32, #tpu.memory_space<vmem>>) target_semaphore(%run_scoped3A : memref<!tpu.dma_semaphore, #tpu.memory_space<semaphore_mem>>)
      %dma_wait3A = tpu.memref_slice %arg5[%mul3A_18] : memref<32768xf32, #tpu.memory_space<hbm>> -> memref<1024xf32, #tpu.memory_space<hbm>>
      %dma_wait3A_29 = tpu.memref_slice %arg5[%mul3A_18] : memref<32768xf32, #tpu.memory_space<hbm>> -> memref<1024xf32, #tpu.memory_space<hbm>>
      tpu.wait_dma2 semaphore(%run_scoped3A : memref<!tpu.dma_semaphore, #tpu.memory_space<semaphore_mem>>) src(%dma_wait3A_29 : memref<1024xf32, #tpu.memory_space<hbm>>) dst(%arg14 : memref<1024xf32, #tpu.memory_space<vmem>>)
      tpu.yield
    }) : () -> ()
    "tpu.region"() ({
      %run_scoped3A = tpu.sem_alloc : memref<!tpu.dma_semaphore, #tpu.memory_space<semaphore_mem>>
      %dma_start3A = tpu.memref_slice %arg6[%mul3A_18] : memref<32768xf32, #tpu.memory_space<hbm>> -> memref<1024xf32, #tpu.memory_space<hbm>>
      %dma_start3A_28 = tpu.memref_slice %arg6[%mul3A_18] : memref<32768xf32, #tpu.memory_space<hbm>> -> memref<1024xf32, #tpu.memory_space<hbm>>
      tpu.enqueue_dma source(%dma_start3A_28 : memref<1024xf32, #tpu.memory_space<hbm>>) target(%arg15 : memref<1024xf32, #tpu.memory_space<vmem>>) target_semaphore(%run_scoped3A : memref<!tpu.dma_semaphore, #tpu.memory_space<semaphore_mem>>)
      %dma_wait3A = tpu.memref_slice %arg6[%mul3A_18] : memref<32768xf32, #tpu.memory_space<hbm>> -> memref<1024xf32, #tpu.memory_space<hbm>>
      %dma_wait3A_29 = tpu.memref_slice %arg6[%mul3A_18] : memref<32768xf32, #tpu.memory_space<hbm>> -> memref<1024xf32, #tpu.memory_space<hbm>>
      tpu.wait_dma2 semaphore(%run_scoped3A : memref<!tpu.dma_semaphore, #tpu.memory_space<semaphore_mem>>) src(%dma_wait3A_29 : memref<1024xf32, #tpu.memory_space<hbm>>) dst(%arg15 : memref<1024xf32, #tpu.memory_space<vmem>>)
      tpu.yield
    }) : () -> ()
    "tpu.region"() ({
      %run_scoped3A = tpu.sem_alloc : memref<!tpu.dma_semaphore, #tpu.memory_space<semaphore_mem>>
      %dma_start3A = tpu.memref_slice %arg7[%mul3A_18] : memref<32768xf32, #tpu.memory_space<hbm>> -> memref<1024xf32, #tpu.memory_space<hbm>>
      %dma_start3A_28 = tpu.memref_slice %arg7[%mul3A_18] : memref<32768xf32, #tpu.memory_space<hbm>> -> memref<1024xf32, #tpu.memory_space<hbm>>
      tpu.enqueue_dma source(%dma_start3A_28 : memref<1024xf32, #tpu.memory_space<hbm>>) target(%arg16 : memref<1024xf32, #tpu.memory_space<vmem>>) target_semaphore(%run_scoped3A : memref<!tpu.dma_semaphore, #tpu.memory_space<semaphore_mem>>)
      %dma_wait3A = tpu.memref_slice %arg7[%mul3A_18] : memref<32768xf32, #tpu.memory_space<hbm>> -> memref<1024xf32, #tpu.memory_space<hbm>>
      %dma_wait3A_29 = tpu.memref_slice %arg7[%mul3A_18] : memref<32768xf32, #tpu.memory_space<hbm>> -> memref<1024xf32, #tpu.memory_space<hbm>>
      tpu.wait_dma2 semaphore(%run_scoped3A : memref<!tpu.dma_semaphore, #tpu.memory_space<semaphore_mem>>) src(%dma_wait3A_29 : memref<1024xf32, #tpu.memory_space<hbm>>) dst(%arg16 : memref<1024xf32, #tpu.memory_space<vmem>>)
      tpu.yield
    }) : () -> ()
    %scan3A = arith.constant 0 : i32
    %scan3A_19 = arith.constant 0 : i32
    %scan3A_20 = arith.constant 64 : i32
    %scan3A_21 = arith.addi %scan3A_19, %scan3A_20 : i32
    %scan3A_22 = arith.constant 1 : i32
    scf.for %scan3A_28 = %scan3A_19 to %scan3A_21 step %scan3A_22  : i32 {
      %mul3A_29 = arith.constant 16 : i32
      %mul3A_30 = arith.muli %scan3A_28, %mul3A_29 : i32
      %get3A = arith.index_cast %mul3A_30 : i32 to index
      %get3A_31 = tpu.vector_load %arg11[%get3A] {strides = array<i32>} : memref<1024xi32, #tpu.memory_space<vmem>>, vector<16xi32>,
      %mul3A_32 = arith.constant 33 : i32
      %mul3A_33 = vector.broadcast %mul3A_32 : i32 to vector<16xi32>
      %mul3A_34 = arith.muli %get3A_31, %mul3A_33 : vector<16xi32>
      %get3A_35 = arith.index_cast %mul3A_30 : i32 to index
      %get3A_36 = tpu.vector_load %arg12[%get3A_35] {strides = array<i32>} : memref<1024xi32, #tpu.memory_space<vmem>>, vector<16xi32>,
      %mul3A_37 = arith.constant 33 : i32
      %mul3A_38 = vector.broadcast %mul3A_37 : i32 to vector<16xi32>
      %mul3A_39 = arith.muli %get3A_36, %mul3A_38 : vector<16xi32>
      %get3A_40 = arith.index_cast %mul3A_30 : i32 to index
      %get3A_41 = tpu.vector_load %arg13[%get3A_40] {strides = array<i32>} : memref<1024xi32, #tpu.memory_space<vmem>>, vector<16xi32>,
      %mul3A_42 = arith.constant 33 : i32
      %mul3A_43 = vector.broadcast %mul3A_42 : i32 to vector<16xi32>
      %mul3A_44 = arith.muli %get3A_41, %mul3A_43 : vector<16xi32>
      %get3A_45 = arith.index_cast %mul3A_30 : i32 to index
      %get3A_46 = tpu.vector_load %arg14[%get3A_45] {strides = array<i32>} : memref<1024xf32, #tpu.memory_space<vmem>>, vector<16xf32>,
      %get3A_47 = arith.index_cast %mul3A_30 : i32 to index
      %get3A_48 = tpu.vector_load %arg15[%get3A_47] {strides = array<i32>} : memref<1024xf32, #tpu.memory_space<vmem>>, vector<16xf32>,
      %get3A_49 = arith.index_cast %mul3A_30 : i32 to index
      %get3A_50 = tpu.vector_load %arg16[%get3A_49] {strides = array<i32>} : memref<1024xf32, #tpu.memory_space<vmem>>, vector<16xf32>,
      %add3A_51 = arith.constant 0 : i32
      %add3A_52 = vector.broadcast %add3A_51 : i32 to vector<16xi32>
      %add3A_53 = arith.addi %mul3A_34, %add3A_52 : vector<16xi32>
      %gather3A = tpu.vector_load_idx %arg10[%add3A_53] : memref<67584xf32, #tpu.memory_space<vmem>>[vector<16xi32>], vector<16xf32>,
      %add3A_54 = arith.constant 0 : i32
      %add3A_55 = vector.broadcast %add3A_54 : i32 to vector<16xi32>
      %add3A_56 = arith.addi %mul3A_39, %add3A_55 : vector<16xi32>
      %gather3A_57 = tpu.vector_load_idx %arg10[%add3A_56] : memref<67584xf32, #tpu.memory_space<vmem>>[vector<16xi32>], vector<16xf32>,
      %add3A_58 = arith.constant 0 : i32
      %add3A_59 = vector.broadcast %add3A_58 : i32 to vector<16xi32>
      %add3A_60 = arith.addi %mul3A_44, %add3A_59 : vector<16xi32>
      %gather3A_61 = tpu.vector_load_idx %arg10[%add3A_60] : memref<67584xf32, #tpu.memory_space<vmem>>[vector<16xi32>], vector<16xf32>,
      %mul3A_62 = arith.mulf %get3A_46, %gather3A : vector<16xf32>
      %mul3A_63 = arith.mulf %get3A_48, %gather3A_57 : vector<16xf32>
      %add3A_64 = arith.addf %mul3A_62, %mul3A_63 : vector<16xf32>
      %mul3A_65 = arith.mulf %get3A_50, %gather3A_61 : vector<16xf32>
      %add3A_66 = arith.addf %add3A_64, %mul3A_65 : vector<16xf32>
      %add3A_67 = arith.constant 0 : i32
      %add3A_68 = arith.addi %add3A_67, %mul3A_30 : i32
      %swap3A = arith.index_cast %add3A_68 : i32 to index
      %swap3A_69 = tpu.vector_load %arg17[%swap3A] {strides = array<i32>} : memref<32768xf32, #tpu.memory_space<vmem>>, vector<16xf32>,
      tpu.vector_store %arg17[%swap3A], %add3A_66 {strides = array<i32>} : memref<32768xf32, #tpu.memory_space<vmem>>, vector<16xf32>,
      %add3A_70 = arith.constant 1 : i32
      %add3A_71 = vector.broadcast %add3A_70 : i32 to vector<16xi32>
      %add3A_72 = arith.addi %mul3A_34, %add3A_71 : vector<16xi32>
      %gather3A_73 = tpu.vector_load_idx %arg10[%add3A_72] : memref<67584xf32, #tpu.memory_space<vmem>>[vector<16xi32>], vector<16xf32>,
      %add3A_74 = arith.constant 1 : i32
      %add3A_75 = vector.broadcast %add3A_74 : i32 to vector<16xi32>
      %add3A_76 = arith.addi %mul3A_39, %add3A_75 : vector<16xi32>
      %gather3A_77 = tpu.vector_load_idx %arg10[%add3A_76] : memref<67584xf32, #tpu.memory_space<vmem>>[vector<16xi32>], vector<16xf32>,
      %add3A_78 = arith.constant 1 : i32
      %add3A_79 = vector.broadcast %add3A_78 : i32 to vector<16xi32>
      %add3A_80 = arith.addi %mul3A_44, %add3A_79 : vector<16xi32>
      %gather3A_81 = tpu.vector_load_idx %arg10[%add3A_80] : memref<67584xf32, #tpu.memory_space<vmem>>[vector<16xi32>], vector<16xf32>,
      %mul3A_82 = arith.mulf %get3A_46, %gather3A_73 : vector<16xf32>
      %mul3A_83 = arith.mulf %get3A_48, %gather3A_77 : vector<16xf32>
      %add3A_84 = arith.addf %mul3A_82, %mul3A_83 : vector<16xf32>
      %mul3A_85 = arith.mulf %get3A_50, %gather3A_81 : vector<16xf32>
      %add3A_86 = arith.addf %add3A_84, %mul3A_85 : vector<16xf32>
      %add3A_87 = arith.constant 1024 : i32
      %add3A_88 = arith.addi %add3A_87, %mul3A_30 : i32
      %swap3A_89 = arith.index_cast %add3A_88 : i32 to index
      %swap3A_90 = tpu.vector_load %arg17[%swap3A_89] {strides = array<i32>} : memref<32768xf32, #tpu.memory_space<vmem>>, vector<16xf32>,
      tpu.vector_store %arg17[%swap3A_89], %add3A_86 {strides = array<i32>} : memref<32768xf32, #tpu.memory_space<vmem>>, vector<16xf32>,
      %add3A_91 = arith.constant 2 : i32
      %add3A_92 = vector.broadcast %add3A_91 : i32 to vector<16xi32>
      %add3A_93 = arith.addi %mul3A_34, %add3A_92 : vector<16xi32>
      %gather3A_94 = tpu.vector_load_idx %arg10[%add3A_93] : memref<67584xf32, #tpu.memory_space<vmem>>[vector<16xi32>], vector<16xf32>,
      %add3A_95 = arith.constant 2 : i32
      %add3A_96 = vector.broadcast %add3A_95 : i32 to vector<16xi32>
      %add3A_97 = arith.addi %mul3A_39, %add3A_96 : vector<16xi32>
      %gather3A_98 = tpu.vector_load_idx %arg10[%add3A_97] : memref<67584xf32, #tpu.memory_space<vmem>>[vector<16xi32>], vector<16xf32>,
      %add3A_99 = arith.constant 2 : i32
      %add3A_100 = vector.broadcast %add3A_99 : i32 to vector<16xi32>
      %add3A_101 = arith.addi %mul3A_44, %add3A_100 : vector<16xi32>
      %gather3A_102 = tpu.vector_load_idx %arg10[%add3A_101] : memref<67584xf32, #tpu.memory_space<vmem>>[vector<16xi32>], vector<16xf32>,
      %mul3A_103 = arith.mulf %get3A_46, %gather3A_94 : vector<16xf32>
      %mul3A_104 = arith.mulf %get3A_48, %gather3A_98 : vector<16xf32>
      %add3A_105 = arith.addf %mul3A_103, %mul3A_104 : vector<16xf32>
      %mul3A_106 = arith.mulf %get3A_50, %gather3A_102 : vector<16xf32>
      %add3A_107 = arith.addf %add3A_105, %mul3A_106 : vector<16xf32>
      %add3A_108 = arith.constant 2048 : i32
      %add3A_109 = arith.addi %add3A_108, %mul3A_30 : i32
      %swap3A_110 = arith.index_cast %add3A_109 : i32 to index
      %swap3A_111 = tpu.vector_load %arg17[%swap3A_110] {strides = array<i32>} : memref<32768xf32, #tpu.memory_space<vmem>>, vector<16xf32>,
      tpu.vector_store %arg17[%swap3A_110], %add3A_107 {strides = array<i32>} : memref<32768xf32, #tpu.memory_space<vmem>>, vector<16xf32>,
      %add3A_112 = arith.constant 3 : i32
      %add3A_113 = vector.broadcast %add3A_112 : i32 to vector<16xi32>
      %add3A_114 = arith.addi %mul3A_34, %add3A_113 : vector<16xi32>
      %gather3A_115 = tpu.vector_load_idx %arg10[%add3A_114] : memref<67584xf32, #tpu.memory_space<vmem>>[vector<16xi32>], vector<16xf32>,
      %add3A_116 = arith.constant 3 : i32
      %add3A_117 = vector.broadcast %add3A_116 : i32 to vector<16xi32>
      %add3A_118 = arith.addi %mul3A_39, %add3A_117 : vector<16xi32>
      %gather3A_119 = tpu.vector_load_idx %arg10[%add3A_118] : memref<67584xf32, #tpu.memory_space<vmem>>[vector<16xi32>], vector<16xf32>,
      %add3A_120 = arith.constant 3 : i32
      %add3A_121 = vector.broadcast %add3A_120 : i32 to vector<16xi32>
      %add3A_122 = arith.addi %mul3A_44, %add3A_121 : vector<16xi32>
      %gather3A_123 = tpu.vector_load_idx %arg10[%add3A_122] : memref<67584xf32, #tpu.memory_space<vmem>>[vector<16xi32>], vector<16xf32>,
      %mul3A_124 = arith.mulf %get3A_46, %gather3A_115 : vector<16xf32>
      %mul3A_125 = arith.mulf %get3A_48, %gather3A_119 : vector<16xf32>
      %add3A_126 = arith.addf %mul3A_124, %mul3A_125 : vector<16xf32>
      %mul3A_127 = arith.mulf %get3A_50, %gather3A_123 : vector<16xf32>
      %add3A_128 = arith.addf %add3A_126, %mul3A_127 : vector<16xf32>
      %add3A_129 = arith.constant 3072 : i32
      %add3A_130 = arith.addi %add3A_129, %mul3A_30 : i32
      %swap3A_131 = arith.index_cast %add3A_130 : i32 to index
      %swap3A_132 = tpu.vector_load %arg17[%swap3A_131] {strides = array<i32>} : memref<32768xf32, #tpu.memory_space<vmem>>, vector<16xf32>,
      tpu.vector_store %arg17[%swap3A_131], %add3A_128 {strides = array<i32>} : memref<32768xf32, #tpu.memory_space<vmem>>, vector<16xf32>,
      %add3A_133 = arith.constant 4 : i32
      %add3A_134 = vector.broadcast %add3A_133 : i32 to vector<16xi32>
      %add3A_135 = arith.addi %mul3A_34, %add3A_134 : vector<16xi32>
      %gather3A_136 = tpu.vector_load_idx %arg10[%add3A_135] : memref<67584xf32, #tpu.memory_space<vmem>>[vector<16xi32>], vector<16xf32>,
      %add3A_137 = arith.constant 4 : i32
      %add3A_138 = vector.broadcast %add3A_137 : i32 to vector<16xi32>
      %add3A_139 = arith.addi %mul3A_39, %add3A_138 : vector<16xi32>
      %gather3A_140 = tpu.vector_load_idx %arg10[%add3A_139] : memref<67584xf32, #tpu.memory_space<vmem>>[vector<16xi32>], vector<16xf32>,
      %add3A_141 = arith.constant 4 : i32
      %add3A_142 = vector.broadcast %add3A_141 : i32 to vector<16xi32>
      %add3A_143 = arith.addi %mul3A_44, %add3A_142 : vector<16xi32>
      %gather3A_144 = tpu.vector_load_idx %arg10[%add3A_143] : memref<67584xf32, #tpu.memory_space<vmem>>[vector<16xi32>], vector<16xf32>,
      %mul3A_145 = arith.mulf %get3A_46, %gather3A_136 : vector<16xf32>
      %mul3A_146 = arith.mulf %get3A_48, %gather3A_140 : vector<16xf32>
      %add3A_147 = arith.addf %mul3A_145, %mul3A_146 : vector<16xf32>
      %mul3A_148 = arith.mulf %get3A_50, %gather3A_144 : vector<16xf32>
      %add3A_149 = arith.addf %add3A_147, %mul3A_148 : vector<16xf32>
      %add3A_150 = arith.constant 4096 : i32
      %add3A_151 = arith.addi %add3A_150, %mul3A_30 : i32
      %swap3A_152 = arith.index_cast %add3A_151 : i32 to index
      %swap3A_153 = tpu.vector_load %arg17[%swap3A_152] {strides = array<i32>} : memref<32768xf32, #tpu.memory_space<vmem>>, vector<16xf32>,
      tpu.vector_store %arg17[%swap3A_152], %add3A_149 {strides = array<i32>} : memref<32768xf32, #tpu.memory_space<vmem>>, vector<16xf32>,
      %add3A_154 = arith.constant 5 : i32
      %add3A_155 = vector.broadcast %add3A_154 : i32 to vector<16xi32>
      %add3A_156 = arith.addi %mul3A_34, %add3A_155 : vector<16xi32>
      %gather3A_157 = tpu.vector_load_idx %arg10[%add3A_156] : memref<67584xf32, #tpu.memory_space<vmem>>[vector<16xi32>], vector<16xf32>,
      %add3A_158 = arith.constant 5 : i32
      %add3A_159 = vector.broadcast %add3A_158 : i32 to vector<16xi32>
      %add3A_160 = arith.addi %mul3A_39, %add3A_159 : vector<16xi32>
      %gather3A_161 = tpu.vector_load_idx %arg10[%add3A_160] : memref<67584xf32, #tpu.memory_space<vmem>>[vector<16xi32>], vector<16xf32>,
      %add3A_162 = arith.constant 5 : i32
      %add3A_163 = vector.broadcast %add3A_162 : i32 to vector<16xi32>
      %add3A_164 = arith.addi %mul3A_44, %add3A_163 : vector<16xi32>
      %gather3A_165 = tpu.vector_load_idx %arg10[%add3A_164] : memref<67584xf32, #tpu.memory_space<vmem>>[vector<16xi32>], vector<16xf32>,
      %mul3A_166 = arith.mulf %get3A_46, %gather3A_157 : vector<16xf32>
      %mul3A_167 = arith.mulf %get3A_48, %gather3A_161 : vector<16xf32>
      %add3A_168 = arith.addf %mul3A_166, %mul3A_167 : vector<16xf32>
      %mul3A_169 = arith.mulf %get3A_50, %gather3A_165 : vector<16xf32>
      %add3A_170 = arith.addf %add3A_168, %mul3A_169 : vector<16xf32>
      %add3A_171 = arith.constant 5120 : i32
      %add3A_172 = arith.addi %add3A_171, %mul3A_30 : i32
      %swap3A_173 = arith.index_cast %add3A_172 : i32 to index
      %swap3A_174 = tpu.vector_load %arg17[%swap3A_173] {strides = array<i32>} : memref<32768xf32, #tpu.memory_space<vmem>>, vector<16xf32>,
      tpu.vector_store %arg17[%swap3A_173], %add3A_170 {strides = array<i32>} : memref<32768xf32, #tpu.memory_space<vmem>>, vector<16xf32>,
      %add3A_175 = arith.constant 6 : i32
      %add3A_176 = vector.broadcast %add3A_175 : i32 to vector<16xi32>
      %add3A_177 = arith.addi %mul3A_34, %add3A_176 : vector<16xi32>
      %gather3A_178 = tpu.vector_load_idx %arg10[%add3A_177] : memref<67584xf32, #tpu.memory_space<vmem>>[vector<16xi32>], vector<16xf32>,
      %add3A_179 = arith.constant 6 : i32
      %add3A_180 = vector.broadcast %add3A_179 : i32 to vector<16xi32>
      %add3A_181 = arith.addi %mul3A_39, %add3A_180 : vector<16xi32>
      %gather3A_182 = tpu.vector_load_idx %arg10[%add3A_181] : memref<67584xf32, #tpu.memory_space<vmem>>[vector<16xi32>], vector<16xf32>,
      %add3A_183 = arith.constant 6 : i32
      %add3A_184 = vector.broadcast %add3A_183 : i32 to vector<16xi32>
      %add3A_185 = arith.addi %mul3A_44, %add3A_184 : vector<16xi32>
      %gather3A_186 = tpu.vector_load_idx %arg10[%add3A_185] : memref<67584xf32, #tpu.memory_space<vmem>>[vector<16xi32>], vector<16xf32>,
      %mul3A_187 = arith.mulf %get3A_46, %gather3A_178 : vector<16xf32>
      %mul3A_188 = arith.mulf %get3A_48, %gather3A_182 : vector<16xf32>
      %add3A_189 = arith.addf %mul3A_187, %mul3A_188 : vector<16xf32>
      %mul3A_190 = arith.mulf %get3A_50, %gather3A_186 : vector<16xf32>
      %add3A_191 = arith.addf %add3A_189, %mul3A_190 : vector<16xf32>
      %add3A_192 = arith.constant 6144 : i32
      %add3A_193 = arith.addi %add3A_192, %mul3A_30 : i32
      %swap3A_194 = arith.index_cast %add3A_193 : i32 to index
      %swap3A_195 = tpu.vector_load %arg17[%swap3A_194] {strides = array<i32>} : memref<32768xf32, #tpu.memory_space<vmem>>, vector<16xf32>,
      tpu.vector_store %arg17[%swap3A_194], %add3A_191 {strides = array<i32>} : memref<32768xf32, #tpu.memory_space<vmem>>, vector<16xf32>,
      %add3A_196 = arith.constant 7 : i32
      %add3A_197 = vector.broadcast %add3A_196 : i32 to vector<16xi32>
      %add3A_198 = arith.addi %mul3A_34, %add3A_197 : vector<16xi32>
      %gather3A_199 = tpu.vector_load_idx %arg10[%add3A_198] : memref<67584xf32, #tpu.memory_space<vmem>>[vector<16xi32>], vector<16xf32>,
      %add3A_200 = arith.constant 7 : i32
      %add3A_201 = vector.broadcast %add3A_200 : i32 to vector<16xi32>
      %add3A_202 = arith.addi %mul3A_39, %add3A_201 : vector<16xi32>
      %gather3A_203 = tpu.vector_load_idx %arg10[%add3A_202] : memref<67584xf32, #tpu.memory_space<vmem>>[vector<16xi32>], vector<16xf32>,
      %add3A_204 = arith.constant 7 : i32
      %add3A_205 = vector.broadcast %add3A_204 : i32 to vector<16xi32>
      %add3A_206 = arith.addi %mul3A_44, %add3A_205 : vector<16xi32>
      %gather3A_207 = tpu.vector_load_idx %arg10[%add3A_206] : memref<67584xf32, #tpu.memory_space<vmem>>[vector<16xi32>], vector<16xf32>,
      %mul3A_208 = arith.mulf %get3A_46, %gather3A_199 : vector<16xf32>
      %mul3A_209 = arith.mulf %get3A_48, %gather3A_203 : vector<16xf32>
      %add3A_210 = arith.addf %mul3A_208, %mul3A_209 : vector<16xf32>
      %mul3A_211 = arith.mulf %get3A_50, %gather3A_207 : vector<16xf32>
      %add3A_212 = arith.addf %add3A_210, %mul3A_211 : vector<16xf32>
      %add3A_213 = arith.constant 7168 : i32
      %add3A_214 = arith.addi %add3A_213, %mul3A_30 : i32
      %swap3A_215 = arith.index_cast %add3A_214 : i32 to index
      %swap3A_216 = tpu.vector_load %arg17[%swap3A_215] {strides = array<i32>} : memref<32768xf32, #tpu.memory_space<vmem>>, vector<16xf32>,
      tpu.vector_store %arg17[%swap3A_215], %add3A_212 {strides = array<i32>} : memref<32768xf32, #tpu.memory_space<vmem>>, vector<16xf32>,
      %add3A_217 = arith.constant 8 : i32
      %add3A_218 = vector.broadcast %add3A_217 : i32 to vector<16xi32>
      %add3A_219 = arith.addi %mul3A_34, %add3A_218 : vector<16xi32>
      %gather3A_220 = tpu.vector_load_idx %arg10[%add3A_219] : memref<67584xf32, #tpu.memory_space<vmem>>[vector<16xi32>], vector<16xf32>,
      %add3A_221 = arith.constant 8 : i32
      %add3A_222 = vector.broadcast %add3A_221 : i32 to vector<16xi32>
      %add3A_223 = arith.addi %mul3A_39, %add3A_222 : vector<16xi32>
      %gather3A_224 = tpu.vector_load_idx %arg10[%add3A_223] : memref<67584xf32, #tpu.memory_space<vmem>>[vector<16xi32>], vector<16xf32>,
      %add3A_225 = arith.constant 8 : i32
      %add3A_226 = vector.broadcast %add3A_225 : i32 to vector<16xi32>
      %add3A_227 = arith.addi %mul3A_44, %add3A_226 : vector<16xi32>
      %gather3A_228 = tpu.vector_load_idx %arg10[%add3A_227] : memref<67584xf32, #tpu.memory_space<vmem>>[vector<16xi32>], vector<16xf32>,
      %mul3A_229 = arith.mulf %get3A_46, %gather3A_220 : vector<16xf32>
      %mul3A_230 = arith.mulf %get3A_48, %gather3A_224 : vector<16xf32>
      %add3A_231 = arith.addf %mul3A_229, %mul3A_230 : vector<16xf32>
      %mul3A_232 = arith.mulf %get3A_50, %gather3A_228 : vector<16xf32>
      %add3A_233 = arith.addf %add3A_231, %mul3A_232 : vector<16xf32>
      %add3A_234 = arith.constant 8192 : i32
      %add3A_235 = arith.addi %add3A_234, %mul3A_30 : i32
      %swap3A_236 = arith.index_cast %add3A_235 : i32 to index
      %swap3A_237 = tpu.vector_load %arg17[%swap3A_236] {strides = array<i32>} : memref<32768xf32, #tpu.memory_space<vmem>>, vector<16xf32>,
      tpu.vector_store %arg17[%swap3A_236], %add3A_233 {strides = array<i32>} : memref<32768xf32, #tpu.memory_space<vmem>>, vector<16xf32>,
      %add3A_238 = arith.constant 9 : i32
      %add3A_239 = vector.broadcast %add3A_238 : i32 to vector<16xi32>
      %add3A_240 = arith.addi %mul3A_34, %add3A_239 : vector<16xi32>
      %gather3A_241 = tpu.vector_load_idx %arg10[%add3A_240] : memref<67584xf32, #tpu.memory_space<vmem>>[vector<16xi32>], vector<16xf32>,
      %add3A_242 = arith.constant 9 : i32
      %add3A_243 = vector.broadcast %add3A_242 : i32 to vector<16xi32>
      %add3A_244 = arith.addi %mul3A_39, %add3A_243 : vector<16xi32>
      %gather3A_245 = tpu.vector_load_idx %arg10[%add3A_244] : memref<67584xf32, #tpu.memory_space<vmem>>[vector<16xi32>], vector<16xf32>,
      %add3A_246 = arith.constant 9 : i32
      %add3A_247 = vector.broadcast %add3A_246 : i32 to vector<16xi32>
      %add3A_248 = arith.addi %mul3A_44, %add3A_247 : vector<16xi32>
      %gather3A_249 = tpu.vector_load_idx %arg10[%add3A_248] : memref<67584xf32, #tpu.memory_space<vmem>>[vector<16xi32>], vector<16xf32>,
      %mul3A_250 = arith.mulf %get3A_46, %gather3A_241 : vector<16xf32>
      %mul3A_251 = arith.mulf %get3A_48, %gather3A_245 : vector<16xf32>
      %add3A_252 = arith.addf %mul3A_250, %mul3A_251 : vector<16xf32>
      %mul3A_253 = arith.mulf %get3A_50, %gather3A_249 : vector<16xf32>
      %add3A_254 = arith.addf %add3A_252, %mul3A_253 : vector<16xf32>
      %add3A_255 = arith.constant 9216 : i32
      %add3A_256 = arith.addi %add3A_255, %mul3A_30 : i32
      %swap3A_257 = arith.index_cast %add3A_256 : i32 to index
      %swap3A_258 = tpu.vector_load %arg17[%swap3A_257] {strides = array<i32>} : memref<32768xf32, #tpu.memory_space<vmem>>, vector<16xf32>,
      tpu.vector_store %arg17[%swap3A_257], %add3A_254 {strides = array<i32>} : memref<32768xf32, #tpu.memory_space<vmem>>, vector<16xf32>,
      %add3A_259 = arith.constant 10 : i32
      %add3A_260 = vector.broadcast %add3A_259 : i32 to vector<16xi32>
      %add3A_261 = arith.addi %mul3A_34, %add3A_260 : vector<16xi32>
      %gather3A_262 = tpu.vector_load_idx %arg10[%add3A_261] : memref<67584xf32, #tpu.memory_space<vmem>>[vector<16xi32>], vector<16xf32>,
      %add3A_263 = arith.constant 10 : i32
      %add3A_264 = vector.broadcast %add3A_263 : i32 to vector<16xi32>
      %add3A_265 = arith.addi %mul3A_39, %add3A_264 : vector<16xi32>
      %gather3A_266 = tpu.vector_load_idx %arg10[%add3A_265] : memref<67584xf32, #tpu.memory_space<vmem>>[vector<16xi32>], vector<16xf32>,
      %add3A_267 = arith.constant 10 : i32
      %add3A_268 = vector.broadcast %add3A_267 : i32 to vector<16xi32>
      %add3A_269 = arith.addi %mul3A_44, %add3A_268 : vector<16xi32>
      %gather3A_270 = tpu.vector_load_idx %arg10[%add3A_269] : memref<67584xf32, #tpu.memory_space<vmem>>[vector<16xi32>], vector<16xf32>,
      %mul3A_271 = arith.mulf %get3A_46, %gather3A_262 : vector<16xf32>
      %mul3A_272 = arith.mulf %get3A_48, %gather3A_266 : vector<16xf32>
      %add3A_273 = arith.addf %mul3A_271, %mul3A_272 : vector<16xf32>
      %mul3A_274 = arith.mulf %get3A_50, %gather3A_270 : vector<16xf32>
      %add3A_275 = arith.addf %add3A_273, %mul3A_274 : vector<16xf32>
      %add3A_276 = arith.constant 10240 : i32
      %add3A_277 = arith.addi %add3A_276, %mul3A_30 : i32
      %swap3A_278 = arith.index_cast %add3A_277 : i32 to index
      %swap3A_279 = tpu.vector_load %arg17[%swap3A_278] {strides = array<i32>} : memref<32768xf32, #tpu.memory_space<vmem>>, vector<16xf32>,
      tpu.vector_store %arg17[%swap3A_278], %add3A_275 {strides = array<i32>} : memref<32768xf32, #tpu.memory_space<vmem>>, vector<16xf32>,
      %add3A_280 = arith.constant 11 : i32
      %add3A_281 = vector.broadcast %add3A_280 : i32 to vector<16xi32>
      %add3A_282 = arith.addi %mul3A_34, %add3A_281 : vector<16xi32>
      %gather3A_283 = tpu.vector_load_idx %arg10[%add3A_282] : memref<67584xf32, #tpu.memory_space<vmem>>[vector<16xi32>], vector<16xf32>,
      %add3A_284 = arith.constant 11 : i32
      %add3A_285 = vector.broadcast %add3A_284 : i32 to vector<16xi32>
      %add3A_286 = arith.addi %mul3A_39, %add3A_285 : vector<16xi32>
      %gather3A_287 = tpu.vector_load_idx %arg10[%add3A_286] : memref<67584xf32, #tpu.memory_space<vmem>>[vector<16xi32>], vector<16xf32>,
      %add3A_288 = arith.constant 11 : i32
      %add3A_289 = vector.broadcast %add3A_288 : i32 to vector<16xi32>
      %add3A_290 = arith.addi %mul3A_44, %add3A_289 : vector<16xi32>
      %gather3A_291 = tpu.vector_load_idx %arg10[%add3A_290] : memref<67584xf32, #tpu.memory_space<vmem>>[vector<16xi32>], vector<16xf32>,
      %mul3A_292 = arith.mulf %get3A_46, %gather3A_283 : vector<16xf32>
      %mul3A_293 = arith.mulf %get3A_48, %gather3A_287 : vector<16xf32>
      %add3A_294 = arith.addf %mul3A_292, %mul3A_293 : vector<16xf32>
      %mul3A_295 = arith.mulf %get3A_50, %gather3A_291 : vector<16xf32>
      %add3A_296 = arith.addf %add3A_294, %mul3A_295 : vector<16xf32>
      %add3A_297 = arith.constant 11264 : i32
      %add3A_298 = arith.addi %add3A_297, %mul3A_30 : i32
      %swap3A_299 = arith.index_cast %add3A_298 : i32 to index
      %swap3A_300 = tpu.vector_load %arg17[%swap3A_299] {strides = array<i32>} : memref<32768xf32, #tpu.memory_space<vmem>>, vector<16xf32>,
      tpu.vector_store %arg17[%swap3A_299], %add3A_296 {strides = array<i32>} : memref<32768xf32, #tpu.memory_space<vmem>>, vector<16xf32>,
      %add3A_301 = arith.constant 12 : i32
      %add3A_302 = vector.broadcast %add3A_301 : i32 to vector<16xi32>
      %add3A_303 = arith.addi %mul3A_34, %add3A_302 : vector<16xi32>
      %gather3A_304 = tpu.vector_load_idx %arg10[%add3A_303] : memref<67584xf32, #tpu.memory_space<vmem>>[vector<16xi32>], vector<16xf32>,
      %add3A_305 = arith.constant 12 : i32
      %add3A_306 = vector.broadcast %add3A_305 : i32 to vector<16xi32>
      %add3A_307 = arith.addi %mul3A_39, %add3A_306 : vector<16xi32>
      %gather3A_308 = tpu.vector_load_idx %arg10[%add3A_307] : memref<67584xf32, #tpu.memory_space<vmem>>[vector<16xi32>], vector<16xf32>,
      %add3A_309 = arith.constant 12 : i32
      %add3A_310 = vector.broadcast %add3A_309 : i32 to vector<16xi32>
      %add3A_311 = arith.addi %mul3A_44, %add3A_310 : vector<16xi32>
      %gather3A_312 = tpu.vector_load_idx %arg10[%add3A_311] : memref<67584xf32, #tpu.memory_space<vmem>>[vector<16xi32>], vector<16xf32>,
      %mul3A_313 = arith.mulf %get3A_46, %gather3A_304 : vector<16xf32>
      %mul3A_314 = arith.mulf %get3A_48, %gather3A_308 : vector<16xf32>
      %add3A_315 = arith.addf %mul3A_313, %mul3A_314 : vector<16xf32>
      %mul3A_316 = arith.mulf %get3A_50, %gather3A_312 : vector<16xf32>
      %add3A_317 = arith.addf %add3A_315, %mul3A_316 : vector<16xf32>
      %add3A_318 = arith.constant 12288 : i32
      %add3A_319 = arith.addi %add3A_318, %mul3A_30 : i32
      %swap3A_320 = arith.index_cast %add3A_319 : i32 to index
      %swap3A_321 = tpu.vector_load %arg17[%swap3A_320] {strides = array<i32>} : memref<32768xf32, #tpu.memory_space<vmem>>, vector<16xf32>,
      tpu.vector_store %arg17[%swap3A_320], %add3A_317 {strides = array<i32>} : memref<32768xf32, #tpu.memory_space<vmem>>, vector<16xf32>,
      %add3A_322 = arith.constant 13 : i32
      %add3A_323 = vector.broadcast %add3A_322 : i32 to vector<16xi32>
      %add3A_324 = arith.addi %mul3A_34, %add3A_323 : vector<16xi32>
      %gather3A_325 = tpu.vector_load_idx %arg10[%add3A_324] : memref<67584xf32, #tpu.memory_space<vmem>>[vector<16xi32>], vector<16xf32>,
      %add3A_326 = arith.constant 13 : i32
      %add3A_327 = vector.broadcast %add3A_326 : i32 to vector<16xi32>
      %add3A_328 = arith.addi %mul3A_39, %add3A_327 : vector<16xi32>
      %gather3A_329 = tpu.vector_load_idx %arg10[%add3A_328] : memref<67584xf32, #tpu.memory_space<vmem>>[vector<16xi32>], vector<16xf32>,
      %add3A_330 = arith.constant 13 : i32
      %add3A_331 = vector.broadcast %add3A_330 : i32 to vector<16xi32>
      %add3A_332 = arith.addi %mul3A_44, %add3A_331 : vector<16xi32>
      %gather3A_333 = tpu.vector_load_idx %arg10[%add3A_332] : memref<67584xf32, #tpu.memory_space<vmem>>[vector<16xi32>], vector<16xf32>,
      %mul3A_334 = arith.mulf %get3A_46, %gather3A_325 : vector<16xf32>
      %mul3A_335 = arith.mulf %get3A_48, %gather3A_329 : vector<16xf32>
      %add3A_336 = arith.addf %mul3A_334, %mul3A_335 : vector<16xf32>
      %mul3A_337 = arith.mulf %get3A_50, %gather3A_333 : vector<16xf32>
      %add3A_338 = arith.addf %add3A_336, %mul3A_337 : vector<16xf32>
      %add3A_339 = arith.constant 13312 : i32
      %add3A_340 = arith.addi %add3A_339, %mul3A_30 : i32
      %swap3A_341 = arith.index_cast %add3A_340 : i32 to index
      %swap3A_342 = tpu.vector_load %arg17[%swap3A_341] {strides = array<i32>} : memref<32768xf32, #tpu.memory_space<vmem>>, vector<16xf32>,
      tpu.vector_store %arg17[%swap3A_341], %add3A_338 {strides = array<i32>} : memref<32768xf32, #tpu.memory_space<vmem>>, vector<16xf32>,
      %add3A_343 = arith.constant 14 : i32
      %add3A_344 = vector.broadcast %add3A_343 : i32 to vector<16xi32>
      %add3A_345 = arith.addi %mul3A_34, %add3A_344 : vector<16xi32>
      %gather3A_346 = tpu.vector_load_idx %arg10[%add3A_345] : memref<67584xf32, #tpu.memory_space<vmem>>[vector<16xi32>], vector<16xf32>,
      %add3A_347 = arith.constant 14 : i32
      %add3A_348 = vector.broadcast %add3A_347 : i32 to vector<16xi32>
      %add3A_349 = arith.addi %mul3A_39, %add3A_348 : vector<16xi32>
      %gather3A_350 = tpu.vector_load_idx %arg10[%add3A_349] : memref<67584xf32, #tpu.memory_space<vmem>>[vector<16xi32>], vector<16xf32>,
      %add3A_351 = arith.constant 14 : i32
      %add3A_352 = vector.broadcast %add3A_351 : i32 to vector<16xi32>
      %add3A_353 = arith.addi %mul3A_44, %add3A_352 : vector<16xi32>
      %gather3A_354 = tpu.vector_load_idx %arg10[%add3A_353] : memref<67584xf32, #tpu.memory_space<vmem>>[vector<16xi32>], vector<16xf32>,
      %mul3A_355 = arith.mulf %get3A_46, %gather3A_346 : vector<16xf32>
      %mul3A_356 = arith.mulf %get3A_48, %gather3A_350 : vector<16xf32>
      %add3A_357 = arith.addf %mul3A_355, %mul3A_356 : vector<16xf32>
      %mul3A_358 = arith.mulf %get3A_50, %gather3A_354 : vector<16xf32>
      %add3A_359 = arith.addf %add3A_357, %mul3A_358 : vector<16xf32>
      %add3A_360 = arith.constant 14336 : i32
      %add3A_361 = arith.addi %add3A_360, %mul3A_30 : i32
      %swap3A_362 = arith.index_cast %add3A_361 : i32 to index
      %swap3A_363 = tpu.vector_load %arg17[%swap3A_362] {strides = array<i32>} : memref<32768xf32, #tpu.memory_space<vmem>>, vector<16xf32>,
      tpu.vector_store %arg17[%swap3A_362], %add3A_359 {strides = array<i32>} : memref<32768xf32, #tpu.memory_space<vmem>>, vector<16xf32>,
      %add3A_364 = arith.constant 15 : i32
      %add3A_365 = vector.broadcast %add3A_364 : i32 to vector<16xi32>
      %add3A_366 = arith.addi %mul3A_34, %add3A_365 : vector<16xi32>
      %gather3A_367 = tpu.vector_load_idx %arg10[%add3A_366] : memref<67584xf32, #tpu.memory_space<vmem>>[vector<16xi32>], vector<16xf32>,
      %add3A_368 = arith.constant 15 : i32
      %add3A_369 = vector.broadcast %add3A_368 : i32 to vector<16xi32>
      %add3A_370 = arith.addi %mul3A_39, %add3A_369 : vector<16xi32>
      %gather3A_371 = tpu.vector_load_idx %arg10[%add3A_370] : memref<67584xf32, #tpu.memory_space<vmem>>[vector<16xi32>], vector<16xf32>,
      %add3A_372 = arith.constant 15 : i32
      %add3A_373 = vector.broadcast %add3A_372 : i32 to vector<16xi32>
      %add3A_374 = arith.addi %mul3A_44, %add3A_373 : vector<16xi32>
      %gather3A_375 = tpu.vector_load_idx %arg10[%add3A_374] : memref<67584xf32, #tpu.memory_space<vmem>>[vector<16xi32>], vector<16xf32>,
      %mul3A_376 = arith.mulf %get3A_46, %gather3A_367 : vector<16xf32>
      %mul3A_377 = arith.mulf %get3A_48, %gather3A_371 : vector<16xf32>
      %add3A_378 = arith.addf %mul3A_376, %mul3A_377 : vector<16xf32>
      %mul3A_379 = arith.mulf %get3A_50, %gather3A_375 : vector<16xf32>
      %add3A_380 = arith.addf %add3A_378, %mul3A_379 : vector<16xf32>
      %add3A_381 = arith.constant 15360 : i32
      %add3A_382 = arith.addi %add3A_381, %mul3A_30 : i32
      %swap3A_383 = arith.index_cast %add3A_382 : i32 to index
      %swap3A_384 = tpu.vector_load %arg17[%swap3A_383] {strides = array<i32>} : memref<32768xf32, #tpu.memory_space<vmem>>, vector<16xf32>,
      tpu.vector_store %arg17[%swap3A_383], %add3A_380 {strides = array<i32>} : memref<32768xf32, #tpu.memory_space<vmem>>, vector<16xf32>,
      %add3A_385 = arith.constant 16 : i32
      %add3A_386 = vector.broadcast %add3A_385 : i32 to vector<16xi32>
      %add3A_387 = arith.addi %mul3A_34, %add3A_386 : vector<16xi32>
      %gather3A_388 = tpu.vector_load_idx %arg10[%add3A_387] : memref<67584xf32, #tpu.memory_space<vmem>>[vector<16xi32>], vector<16xf32>,
      %add3A_389 = arith.constant 16 : i32
      %add3A_390 = vector.broadcast %add3A_389 : i32 to vector<16xi32>
      %add3A_391 = arith.addi %mul3A_39, %add3A_390 : vector<16xi32>
      %gather3A_392 = tpu.vector_load_idx %arg10[%add3A_391] : memref<67584xf32, #tpu.memory_space<vmem>>[vector<16xi32>], vector<16xf32>,
      %add3A_393 = arith.constant 16 : i32
      %add3A_394 = vector.broadcast %add3A_393 : i32 to vector<16xi32>
      %add3A_395 = arith.addi %mul3A_44, %add3A_394 : vector<16xi32>
      %gather3A_396 = tpu.vector_load_idx %arg10[%add3A_395] : memref<67584xf32, #tpu.memory_space<vmem>>[vector<16xi32>], vector<16xf32>,
      %mul3A_397 = arith.mulf %get3A_46, %gather3A_388 : vector<16xf32>
      %mul3A_398 = arith.mulf %get3A_48, %gather3A_392 : vector<16xf32>
      %add3A_399 = arith.addf %mul3A_397, %mul3A_398 : vector<16xf32>
      %mul3A_400 = arith.mulf %get3A_50, %gather3A_396 : vector<16xf32>
      %add3A_401 = arith.addf %add3A_399, %mul3A_400 : vector<16xf32>
      %add3A_402 = arith.constant 16384 : i32
      %add3A_403 = arith.addi %add3A_402, %mul3A_30 : i32
      %swap3A_404 = arith.index_cast %add3A_403 : i32 to index
      %swap3A_405 = tpu.vector_load %arg17[%swap3A_404] {strides = array<i32>} : memref<32768xf32, #tpu.memory_space<vmem>>, vector<16xf32>,
      tpu.vector_store %arg17[%swap3A_404], %add3A_401 {strides = array<i32>} : memref<32768xf32, #tpu.memory_space<vmem>>, vector<16xf32>,
      %add3A_406 = arith.constant 17 : i32
      %add3A_407 = vector.broadcast %add3A_406 : i32 to vector<16xi32>
      %add3A_408 = arith.addi %mul3A_34, %add3A_407 : vector<16xi32>
      %gather3A_409 = tpu.vector_load_idx %arg10[%add3A_408] : memref<67584xf32, #tpu.memory_space<vmem>>[vector<16xi32>], vector<16xf32>,
      %add3A_410 = arith.constant 17 : i32
      %add3A_411 = vector.broadcast %add3A_410 : i32 to vector<16xi32>
      %add3A_412 = arith.addi %mul3A_39, %add3A_411 : vector<16xi32>
      %gather3A_413 = tpu.vector_load_idx %arg10[%add3A_412] : memref<67584xf32, #tpu.memory_space<vmem>>[vector<16xi32>], vector<16xf32>,
      %add3A_414 = arith.constant 17 : i32
      %add3A_415 = vector.broadcast %add3A_414 : i32 to vector<16xi32>
      %add3A_416 = arith.addi %mul3A_44, %add3A_415 : vector<16xi32>
      %gather3A_417 = tpu.vector_load_idx %arg10[%add3A_416] : memref<67584xf32, #tpu.memory_space<vmem>>[vector<16xi32>], vector<16xf32>,
      %mul3A_418 = arith.mulf %get3A_46, %gather3A_409 : vector<16xf32>
      %mul3A_419 = arith.mulf %get3A_48, %gather3A_413 : vector<16xf32>
      %add3A_420 = arith.addf %mul3A_418, %mul3A_419 : vector<16xf32>
      %mul3A_421 = arith.mulf %get3A_50, %gather3A_417 : vector<16xf32>
      %add3A_422 = arith.addf %add3A_420, %mul3A_421 : vector<16xf32>
      %add3A_423 = arith.constant 17408 : i32
      %add3A_424 = arith.addi %add3A_423, %mul3A_30 : i32
      %swap3A_425 = arith.index_cast %add3A_424 : i32 to index
      %swap3A_426 = tpu.vector_load %arg17[%swap3A_425] {strides = array<i32>} : memref<32768xf32, #tpu.memory_space<vmem>>, vector<16xf32>,
      tpu.vector_store %arg17[%swap3A_425], %add3A_422 {strides = array<i32>} : memref<32768xf32, #tpu.memory_space<vmem>>, vector<16xf32>,
      %add3A_427 = arith.constant 18 : i32
      %add3A_428 = vector.broadcast %add3A_427 : i32 to vector<16xi32>
      %add3A_429 = arith.addi %mul3A_34, %add3A_428 : vector<16xi32>
      %gather3A_430 = tpu.vector_load_idx %arg10[%add3A_429] : memref<67584xf32, #tpu.memory_space<vmem>>[vector<16xi32>], vector<16xf32>,
      %add3A_431 = arith.constant 18 : i32
      %add3A_432 = vector.broadcast %add3A_431 : i32 to vector<16xi32>
      %add3A_433 = arith.addi %mul3A_39, %add3A_432 : vector<16xi32>
      %gather3A_434 = tpu.vector_load_idx %arg10[%add3A_433] : memref<67584xf32, #tpu.memory_space<vmem>>[vector<16xi32>], vector<16xf32>,
      %add3A_435 = arith.constant 18 : i32
      %add3A_436 = vector.broadcast %add3A_435 : i32 to vector<16xi32>
      %add3A_437 = arith.addi %mul3A_44, %add3A_436 : vector<16xi32>
      %gather3A_438 = tpu.vector_load_idx %arg10[%add3A_437] : memref<67584xf32, #tpu.memory_space<vmem>>[vector<16xi32>], vector<16xf32>,
      %mul3A_439 = arith.mulf %get3A_46, %gather3A_430 : vector<16xf32>
      %mul3A_440 = arith.mulf %get3A_48, %gather3A_434 : vector<16xf32>
      %add3A_441 = arith.addf %mul3A_439, %mul3A_440 : vector<16xf32>
      %mul3A_442 = arith.mulf %get3A_50, %gather3A_438 : vector<16xf32>
      %add3A_443 = arith.addf %add3A_441, %mul3A_442 : vector<16xf32>
      %add3A_444 = arith.constant 18432 : i32
      %add3A_445 = arith.addi %add3A_444, %mul3A_30 : i32
      %swap3A_446 = arith.index_cast %add3A_445 : i32 to index
      %swap3A_447 = tpu.vector_load %arg17[%swap3A_446] {strides = array<i32>} : memref<32768xf32, #tpu.memory_space<vmem>>, vector<16xf32>,
      tpu.vector_store %arg17[%swap3A_446], %add3A_443 {strides = array<i32>} : memref<32768xf32, #tpu.memory_space<vmem>>, vector<16xf32>,
      %add3A_448 = arith.constant 19 : i32
      %add3A_449 = vector.broadcast %add3A_448 : i32 to vector<16xi32>
      %add3A_450 = arith.addi %mul3A_34, %add3A_449 : vector<16xi32>
      %gather3A_451 = tpu.vector_load_idx %arg10[%add3A_450] : memref<67584xf32, #tpu.memory_space<vmem>>[vector<16xi32>], vector<16xf32>,
      %add3A_452 = arith.constant 19 : i32
      %add3A_453 = vector.broadcast %add3A_452 : i32 to vector<16xi32>
      %add3A_454 = arith.addi %mul3A_39, %add3A_453 : vector<16xi32>
      %gather3A_455 = tpu.vector_load_idx %arg10[%add3A_454] : memref<67584xf32, #tpu.memory_space<vmem>>[vector<16xi32>], vector<16xf32>,
      %add3A_456 = arith.constant 19 : i32
      %add3A_457 = vector.broadcast %add3A_456 : i32 to vector<16xi32>
      %add3A_458 = arith.addi %mul3A_44, %add3A_457 : vector<16xi32>
      %gather3A_459 = tpu.vector_load_idx %arg10[%add3A_458] : memref<67584xf32, #tpu.memory_space<vmem>>[vector<16xi32>], vector<16xf32>,
      %mul3A_460 = arith.mulf %get3A_46, %gather3A_451 : vector<16xf32>
      %mul3A_461 = arith.mulf %get3A_48, %gather3A_455 : vector<16xf32>
      %add3A_462 = arith.addf %mul3A_460, %mul3A_461 : vector<16xf32>
      %mul3A_463 = arith.mulf %get3A_50, %gather3A_459 : vector<16xf32>
      %add3A_464 = arith.addf %add3A_462, %mul3A_463 : vector<16xf32>
      %add3A_465 = arith.constant 19456 : i32
      %add3A_466 = arith.addi %add3A_465, %mul3A_30 : i32
      %swap3A_467 = arith.index_cast %add3A_466 : i32 to index
      %swap3A_468 = tpu.vector_load %arg17[%swap3A_467] {strides = array<i32>} : memref<32768xf32, #tpu.memory_space<vmem>>, vector<16xf32>,
      tpu.vector_store %arg17[%swap3A_467], %add3A_464 {strides = array<i32>} : memref<32768xf32, #tpu.memory_space<vmem>>, vector<16xf32>,
      %add3A_469 = arith.constant 20 : i32
      %add3A_470 = vector.broadcast %add3A_469 : i32 to vector<16xi32>
      %add3A_471 = arith.addi %mul3A_34, %add3A_470 : vector<16xi32>
      %gather3A_472 = tpu.vector_load_idx %arg10[%add3A_471] : memref<67584xf32, #tpu.memory_space<vmem>>[vector<16xi32>], vector<16xf32>,
      %add3A_473 = arith.constant 20 : i32
      %add3A_474 = vector.broadcast %add3A_473 : i32 to vector<16xi32>
      %add3A_475 = arith.addi %mul3A_39, %add3A_474 : vector<16xi32>
      %gather3A_476 = tpu.vector_load_idx %arg10[%add3A_475] : memref<67584xf32, #tpu.memory_space<vmem>>[vector<16xi32>], vector<16xf32>,
      %add3A_477 = arith.constant 20 : i32
      %add3A_478 = vector.broadcast %add3A_477 : i32 to vector<16xi32>
      %add3A_479 = arith.addi %mul3A_44, %add3A_478 : vector<16xi32>
      %gather3A_480 = tpu.vector_load_idx %arg10[%add3A_479] : memref<67584xf32, #tpu.memory_space<vmem>>[vector<16xi32>], vector<16xf32>,
      %mul3A_481 = arith.mulf %get3A_46, %gather3A_472 : vector<16xf32>
      %mul3A_482 = arith.mulf %get3A_48, %gather3A_476 : vector<16xf32>
      %add3A_483 = arith.addf %mul3A_481, %mul3A_482 : vector<16xf32>
      %mul3A_484 = arith.mulf %get3A_50, %gather3A_480 : vector<16xf32>
      %add3A_485 = arith.addf %add3A_483, %mul3A_484 : vector<16xf32>
      %add3A_486 = arith.constant 20480 : i32
      %add3A_487 = arith.addi %add3A_486, %mul3A_30 : i32
      %swap3A_488 = arith.index_cast %add3A_487 : i32 to index
      %swap3A_489 = tpu.vector_load %arg17[%swap3A_488] {strides = array<i32>} : memref<32768xf32, #tpu.memory_space<vmem>>, vector<16xf32>,
      tpu.vector_store %arg17[%swap3A_488], %add3A_485 {strides = array<i32>} : memref<32768xf32, #tpu.memory_space<vmem>>, vector<16xf32>,
      %add3A_490 = arith.constant 21 : i32
      %add3A_491 = vector.broadcast %add3A_490 : i32 to vector<16xi32>
      %add3A_492 = arith.addi %mul3A_34, %add3A_491 : vector<16xi32>
      %gather3A_493 = tpu.vector_load_idx %arg10[%add3A_492] : memref<67584xf32, #tpu.memory_space<vmem>>[vector<16xi32>], vector<16xf32>,
      %add3A_494 = arith.constant 21 : i32
      %add3A_495 = vector.broadcast %add3A_494 : i32 to vector<16xi32>
      %add3A_496 = arith.addi %mul3A_39, %add3A_495 : vector<16xi32>
      %gather3A_497 = tpu.vector_load_idx %arg10[%add3A_496] : memref<67584xf32, #tpu.memory_space<vmem>>[vector<16xi32>], vector<16xf32>,
      %add3A_498 = arith.constant 21 : i32
      %add3A_499 = vector.broadcast %add3A_498 : i32 to vector<16xi32>
      %add3A_500 = arith.addi %mul3A_44, %add3A_499 : vector<16xi32>
      %gather3A_501 = tpu.vector_load_idx %arg10[%add3A_500] : memref<67584xf32, #tpu.memory_space<vmem>>[vector<16xi32>], vector<16xf32>,
      %mul3A_502 = arith.mulf %get3A_46, %gather3A_493 : vector<16xf32>
      %mul3A_503 = arith.mulf %get3A_48, %gather3A_497 : vector<16xf32>
      %add3A_504 = arith.addf %mul3A_502, %mul3A_503 : vector<16xf32>
      %mul3A_505 = arith.mulf %get3A_50, %gather3A_501 : vector<16xf32>
      %add3A_506 = arith.addf %add3A_504, %mul3A_505 : vector<16xf32>
      %add3A_507 = arith.constant 21504 : i32
      %add3A_508 = arith.addi %add3A_507, %mul3A_30 : i32
      %swap3A_509 = arith.index_cast %add3A_508 : i32 to index
      %swap3A_510 = tpu.vector_load %arg17[%swap3A_509] {strides = array<i32>} : memref<32768xf32, #tpu.memory_space<vmem>>, vector<16xf32>,
      tpu.vector_store %arg17[%swap3A_509], %add3A_506 {strides = array<i32>} : memref<32768xf32, #tpu.memory_space<vmem>>, vector<16xf32>,
      %add3A_511 = arith.constant 22 : i32
      %add3A_512 = vector.broadcast %add3A_511 : i32 to vector<16xi32>
      %add3A_513 = arith.addi %mul3A_34, %add3A_512 : vector<16xi32>
      %gather3A_514 = tpu.vector_load_idx %arg10[%add3A_513] : memref<67584xf32, #tpu.memory_space<vmem>>[vector<16xi32>], vector<16xf32>,
      %add3A_515 = arith.constant 22 : i32
      %add3A_516 = vector.broadcast %add3A_515 : i32 to vector<16xi32>
      %add3A_517 = arith.addi %mul3A_39, %add3A_516 : vector<16xi32>
      %gather3A_518 = tpu.vector_load_idx %arg10[%add3A_517] : memref<67584xf32, #tpu.memory_space<vmem>>[vector<16xi32>], vector<16xf32>,
      %add3A_519 = arith.constant 22 : i32
      %add3A_520 = vector.broadcast %add3A_519 : i32 to vector<16xi32>
      %add3A_521 = arith.addi %mul3A_44, %add3A_520 : vector<16xi32>
      %gather3A_522 = tpu.vector_load_idx %arg10[%add3A_521] : memref<67584xf32, #tpu.memory_space<vmem>>[vector<16xi32>], vector<16xf32>,
      %mul3A_523 = arith.mulf %get3A_46, %gather3A_514 : vector<16xf32>
      %mul3A_524 = arith.mulf %get3A_48, %gather3A_518 : vector<16xf32>
      %add3A_525 = arith.addf %mul3A_523, %mul3A_524 : vector<16xf32>
      %mul3A_526 = arith.mulf %get3A_50, %gather3A_522 : vector<16xf32>
      %add3A_527 = arith.addf %add3A_525, %mul3A_526 : vector<16xf32>
      %add3A_528 = arith.constant 22528 : i32
      %add3A_529 = arith.addi %add3A_528, %mul3A_30 : i32
      %swap3A_530 = arith.index_cast %add3A_529 : i32 to index
      %swap3A_531 = tpu.vector_load %arg17[%swap3A_530] {strides = array<i32>} : memref<32768xf32, #tpu.memory_space<vmem>>, vector<16xf32>,
      tpu.vector_store %arg17[%swap3A_530], %add3A_527 {strides = array<i32>} : memref<32768xf32, #tpu.memory_space<vmem>>, vector<16xf32>,
      %add3A_532 = arith.constant 23 : i32
      %add3A_533 = vector.broadcast %add3A_532 : i32 to vector<16xi32>
      %add3A_534 = arith.addi %mul3A_34, %add3A_533 : vector<16xi32>
      %gather3A_535 = tpu.vector_load_idx %arg10[%add3A_534] : memref<67584xf32, #tpu.memory_space<vmem>>[vector<16xi32>], vector<16xf32>,
      %add3A_536 = arith.constant 23 : i32
      %add3A_537 = vector.broadcast %add3A_536 : i32 to vector<16xi32>
      %add3A_538 = arith.addi %mul3A_39, %add3A_537 : vector<16xi32>
      %gather3A_539 = tpu.vector_load_idx %arg10[%add3A_538] : memref<67584xf32, #tpu.memory_space<vmem>>[vector<16xi32>], vector<16xf32>,
      %add3A_540 = arith.constant 23 : i32
      %add3A_541 = vector.broadcast %add3A_540 : i32 to vector<16xi32>
      %add3A_542 = arith.addi %mul3A_44, %add3A_541 : vector<16xi32>
      %gather3A_543 = tpu.vector_load_idx %arg10[%add3A_542] : memref<67584xf32, #tpu.memory_space<vmem>>[vector<16xi32>], vector<16xf32>,
      %mul3A_544 = arith.mulf %get3A_46, %gather3A_535 : vector<16xf32>
      %mul3A_545 = arith.mulf %get3A_48, %gather3A_539 : vector<16xf32>
      %add3A_546 = arith.addf %mul3A_544, %mul3A_545 : vector<16xf32>
      %mul3A_547 = arith.mulf %get3A_50, %gather3A_543 : vector<16xf32>
      %add3A_548 = arith.addf %add3A_546, %mul3A_547 : vector<16xf32>
      %add3A_549 = arith.constant 23552 : i32
      %add3A_550 = arith.addi %add3A_549, %mul3A_30 : i32
      %swap3A_551 = arith.index_cast %add3A_550 : i32 to index
      %swap3A_552 = tpu.vector_load %arg17[%swap3A_551] {strides = array<i32>} : memref<32768xf32, #tpu.memory_space<vmem>>, vector<16xf32>,
      tpu.vector_store %arg17[%swap3A_551], %add3A_548 {strides = array<i32>} : memref<32768xf32, #tpu.memory_space<vmem>>, vector<16xf32>,
      %add3A_553 = arith.constant 24 : i32
      %add3A_554 = vector.broadcast %add3A_553 : i32 to vector<16xi32>
      %add3A_555 = arith.addi %mul3A_34, %add3A_554 : vector<16xi32>
      %gather3A_556 = tpu.vector_load_idx %arg10[%add3A_555] : memref<67584xf32, #tpu.memory_space<vmem>>[vector<16xi32>], vector<16xf32>,
      %add3A_557 = arith.constant 24 : i32
      %add3A_558 = vector.broadcast %add3A_557 : i32 to vector<16xi32>
      %add3A_559 = arith.addi %mul3A_39, %add3A_558 : vector<16xi32>
      %gather3A_560 = tpu.vector_load_idx %arg10[%add3A_559] : memref<67584xf32, #tpu.memory_space<vmem>>[vector<16xi32>], vector<16xf32>,
      %add3A_561 = arith.constant 24 : i32
      %add3A_562 = vector.broadcast %add3A_561 : i32 to vector<16xi32>
      %add3A_563 = arith.addi %mul3A_44, %add3A_562 : vector<16xi32>
      %gather3A_564 = tpu.vector_load_idx %arg10[%add3A_563] : memref<67584xf32, #tpu.memory_space<vmem>>[vector<16xi32>], vector<16xf32>,
      %mul3A_565 = arith.mulf %get3A_46, %gather3A_556 : vector<16xf32>
      %mul3A_566 = arith.mulf %get3A_48, %gather3A_560 : vector<16xf32>
      %add3A_567 = arith.addf %mul3A_565, %mul3A_566 : vector<16xf32>
      %mul3A_568 = arith.mulf %get3A_50, %gather3A_564 : vector<16xf32>
      %add3A_569 = arith.addf %add3A_567, %mul3A_568 : vector<16xf32>
      %add3A_570 = arith.constant 24576 : i32
      %add3A_571 = arith.addi %add3A_570, %mul3A_30 : i32
      %swap3A_572 = arith.index_cast %add3A_571 : i32 to index
      %swap3A_573 = tpu.vector_load %arg17[%swap3A_572] {strides = array<i32>} : memref<32768xf32, #tpu.memory_space<vmem>>, vector<16xf32>,
      tpu.vector_store %arg17[%swap3A_572], %add3A_569 {strides = array<i32>} : memref<32768xf32, #tpu.memory_space<vmem>>, vector<16xf32>,
      %add3A_574 = arith.constant 25 : i32
      %add3A_575 = vector.broadcast %add3A_574 : i32 to vector<16xi32>
      %add3A_576 = arith.addi %mul3A_34, %add3A_575 : vector<16xi32>
      %gather3A_577 = tpu.vector_load_idx %arg10[%add3A_576] : memref<67584xf32, #tpu.memory_space<vmem>>[vector<16xi32>], vector<16xf32>,
      %add3A_578 = arith.constant 25 : i32
      %add3A_579 = vector.broadcast %add3A_578 : i32 to vector<16xi32>
      %add3A_580 = arith.addi %mul3A_39, %add3A_579 : vector<16xi32>
      %gather3A_581 = tpu.vector_load_idx %arg10[%add3A_580] : memref<67584xf32, #tpu.memory_space<vmem>>[vector<16xi32>], vector<16xf32>,
      %add3A_582 = arith.constant 25 : i32
      %add3A_583 = vector.broadcast %add3A_582 : i32 to vector<16xi32>
      %add3A_584 = arith.addi %mul3A_44, %add3A_583 : vector<16xi32>
      %gather3A_585 = tpu.vector_load_idx %arg10[%add3A_584] : memref<67584xf32, #tpu.memory_space<vmem>>[vector<16xi32>], vector<16xf32>,
      %mul3A_586 = arith.mulf %get3A_46, %gather3A_577 : vector<16xf32>
      %mul3A_587 = arith.mulf %get3A_48, %gather3A_581 : vector<16xf32>
      %add3A_588 = arith.addf %mul3A_586, %mul3A_587 : vector<16xf32>
      %mul3A_589 = arith.mulf %get3A_50, %gather3A_585 : vector<16xf32>
      %add3A_590 = arith.addf %add3A_588, %mul3A_589 : vector<16xf32>
      %add3A_591 = arith.constant 25600 : i32
      %add3A_592 = arith.addi %add3A_591, %mul3A_30 : i32
      %swap3A_593 = arith.index_cast %add3A_592 : i32 to index
      %swap3A_594 = tpu.vector_load %arg17[%swap3A_593] {strides = array<i32>} : memref<32768xf32, #tpu.memory_space<vmem>>, vector<16xf32>,
      tpu.vector_store %arg17[%swap3A_593], %add3A_590 {strides = array<i32>} : memref<32768xf32, #tpu.memory_space<vmem>>, vector<16xf32>,
      %add3A_595 = arith.constant 26 : i32
      %add3A_596 = vector.broadcast %add3A_595 : i32 to vector<16xi32>
      %add3A_597 = arith.addi %mul3A_34, %add3A_596 : vector<16xi32>
      %gather3A_598 = tpu.vector_load_idx %arg10[%add3A_597] : memref<67584xf32, #tpu.memory_space<vmem>>[vector<16xi32>], vector<16xf32>,
      %add3A_599 = arith.constant 26 : i32
      %add3A_600 = vector.broadcast %add3A_599 : i32 to vector<16xi32>
      %add3A_601 = arith.addi %mul3A_39, %add3A_600 : vector<16xi32>
      %gather3A_602 = tpu.vector_load_idx %arg10[%add3A_601] : memref<67584xf32, #tpu.memory_space<vmem>>[vector<16xi32>], vector<16xf32>,
      %add3A_603 = arith.constant 26 : i32
      %add3A_604 = vector.broadcast %add3A_603 : i32 to vector<16xi32>
      %add3A_605 = arith.addi %mul3A_44, %add3A_604 : vector<16xi32>
      %gather3A_606 = tpu.vector_load_idx %arg10[%add3A_605] : memref<67584xf32, #tpu.memory_space<vmem>>[vector<16xi32>], vector<16xf32>,
      %mul3A_607 = arith.mulf %get3A_46, %gather3A_598 : vector<16xf32>
      %mul3A_608 = arith.mulf %get3A_48, %gather3A_602 : vector<16xf32>
      %add3A_609 = arith.addf %mul3A_607, %mul3A_608 : vector<16xf32>
      %mul3A_610 = arith.mulf %get3A_50, %gather3A_606 : vector<16xf32>
      %add3A_611 = arith.addf %add3A_609, %mul3A_610 : vector<16xf32>
      %add3A_612 = arith.constant 26624 : i32
      %add3A_613 = arith.addi %add3A_612, %mul3A_30 : i32
      %swap3A_614 = arith.index_cast %add3A_613 : i32 to index
      %swap3A_615 = tpu.vector_load %arg17[%swap3A_614] {strides = array<i32>} : memref<32768xf32, #tpu.memory_space<vmem>>, vector<16xf32>,
      tpu.vector_store %arg17[%swap3A_614], %add3A_611 {strides = array<i32>} : memref<32768xf32, #tpu.memory_space<vmem>>, vector<16xf32>,
      %add3A_616 = arith.constant 27 : i32
      %add3A_617 = vector.broadcast %add3A_616 : i32 to vector<16xi32>
      %add3A_618 = arith.addi %mul3A_34, %add3A_617 : vector<16xi32>
      %gather3A_619 = tpu.vector_load_idx %arg10[%add3A_618] : memref<67584xf32, #tpu.memory_space<vmem>>[vector<16xi32>], vector<16xf32>,
      %add3A_620 = arith.constant 27 : i32
      %add3A_621 = vector.broadcast %add3A_620 : i32 to vector<16xi32>
      %add3A_622 = arith.addi %mul3A_39, %add3A_621 : vector<16xi32>
      %gather3A_623 = tpu.vector_load_idx %arg10[%add3A_622] : memref<67584xf32, #tpu.memory_space<vmem>>[vector<16xi32>], vector<16xf32>,
      %add3A_624 = arith.constant 27 : i32
      %add3A_625 = vector.broadcast %add3A_624 : i32 to vector<16xi32>
      %add3A_626 = arith.addi %mul3A_44, %add3A_625 : vector<16xi32>
      %gather3A_627 = tpu.vector_load_idx %arg10[%add3A_626] : memref<67584xf32, #tpu.memory_space<vmem>>[vector<16xi32>], vector<16xf32>,
      %mul3A_628 = arith.mulf %get3A_46, %gather3A_619 : vector<16xf32>
      %mul3A_629 = arith.mulf %get3A_48, %gather3A_623 : vector<16xf32>
      %add3A_630 = arith.addf %mul3A_628, %mul3A_629 : vector<16xf32>
      %mul3A_631 = arith.mulf %get3A_50, %gather3A_627 : vector<16xf32>
      %add3A_632 = arith.addf %add3A_630, %mul3A_631 : vector<16xf32>
      %add3A_633 = arith.constant 27648 : i32
      %add3A_634 = arith.addi %add3A_633, %mul3A_30 : i32
      %swap3A_635 = arith.index_cast %add3A_634 : i32 to index
      %swap3A_636 = tpu.vector_load %arg17[%swap3A_635] {strides = array<i32>} : memref<32768xf32, #tpu.memory_space<vmem>>, vector<16xf32>,
      tpu.vector_store %arg17[%swap3A_635], %add3A_632 {strides = array<i32>} : memref<32768xf32, #tpu.memory_space<vmem>>, vector<16xf32>,
      %add3A_637 = arith.constant 28 : i32
      %add3A_638 = vector.broadcast %add3A_637 : i32 to vector<16xi32>
      %add3A_639 = arith.addi %mul3A_34, %add3A_638 : vector<16xi32>
      %gather3A_640 = tpu.vector_load_idx %arg10[%add3A_639] : memref<67584xf32, #tpu.memory_space<vmem>>[vector<16xi32>], vector<16xf32>,
      %add3A_641 = arith.constant 28 : i32
      %add3A_642 = vector.broadcast %add3A_641 : i32 to vector<16xi32>
      %add3A_643 = arith.addi %mul3A_39, %add3A_642 : vector<16xi32>
      %gather3A_644 = tpu.vector_load_idx %arg10[%add3A_643] : memref<67584xf32, #tpu.memory_space<vmem>>[vector<16xi32>], vector<16xf32>,
      %add3A_645 = arith.constant 28 : i32
      %add3A_646 = vector.broadcast %add3A_645 : i32 to vector<16xi32>
      %add3A_647 = arith.addi %mul3A_44, %add3A_646 : vector<16xi32>
      %gather3A_648 = tpu.vector_load_idx %arg10[%add3A_647] : memref<67584xf32, #tpu.memory_space<vmem>>[vector<16xi32>], vector<16xf32>,
      %mul3A_649 = arith.mulf %get3A_46, %gather3A_640 : vector<16xf32>
      %mul3A_650 = arith.mulf %get3A_48, %gather3A_644 : vector<16xf32>
      %add3A_651 = arith.addf %mul3A_649, %mul3A_650 : vector<16xf32>
      %mul3A_652 = arith.mulf %get3A_50, %gather3A_648 : vector<16xf32>
      %add3A_653 = arith.addf %add3A_651, %mul3A_652 : vector<16xf32>
      %add3A_654 = arith.constant 28672 : i32
      %add3A_655 = arith.addi %add3A_654, %mul3A_30 : i32
      %swap3A_656 = arith.index_cast %add3A_655 : i32 to index
      %swap3A_657 = tpu.vector_load %arg17[%swap3A_656] {strides = array<i32>} : memref<32768xf32, #tpu.memory_space<vmem>>, vector<16xf32>,
      tpu.vector_store %arg17[%swap3A_656], %add3A_653 {strides = array<i32>} : memref<32768xf32, #tpu.memory_space<vmem>>, vector<16xf32>,
      %add3A_658 = arith.constant 29 : i32
      %add3A_659 = vector.broadcast %add3A_658 : i32 to vector<16xi32>
      %add3A_660 = arith.addi %mul3A_34, %add3A_659 : vector<16xi32>
      %gather3A_661 = tpu.vector_load_idx %arg10[%add3A_660] : memref<67584xf32, #tpu.memory_space<vmem>>[vector<16xi32>], vector<16xf32>,
      %add3A_662 = arith.constant 29 : i32
      %add3A_663 = vector.broadcast %add3A_662 : i32 to vector<16xi32>
      %add3A_664 = arith.addi %mul3A_39, %add3A_663 : vector<16xi32>
      %gather3A_665 = tpu.vector_load_idx %arg10[%add3A_664] : memref<67584xf32, #tpu.memory_space<vmem>>[vector<16xi32>], vector<16xf32>,
      %add3A_666 = arith.constant 29 : i32
      %add3A_667 = vector.broadcast %add3A_666 : i32 to vector<16xi32>
      %add3A_668 = arith.addi %mul3A_44, %add3A_667 : vector<16xi32>
      %gather3A_669 = tpu.vector_load_idx %arg10[%add3A_668] : memref<67584xf32, #tpu.memory_space<vmem>>[vector<16xi32>], vector<16xf32>,
      %mul3A_670 = arith.mulf %get3A_46, %gather3A_661 : vector<16xf32>
      %mul3A_671 = arith.mulf %get3A_48, %gather3A_665 : vector<16xf32>
      %add3A_672 = arith.addf %mul3A_670, %mul3A_671 : vector<16xf32>
      %mul3A_673 = arith.mulf %get3A_50, %gather3A_669 : vector<16xf32>
      %add3A_674 = arith.addf %add3A_672, %mul3A_673 : vector<16xf32>
      %add3A_675 = arith.constant 29696 : i32
      %add3A_676 = arith.addi %add3A_675, %mul3A_30 : i32
      %swap3A_677 = arith.index_cast %add3A_676 : i32 to index
      %swap3A_678 = tpu.vector_load %arg17[%swap3A_677] {strides = array<i32>} : memref<32768xf32, #tpu.memory_space<vmem>>, vector<16xf32>,
      tpu.vector_store %arg17[%swap3A_677], %add3A_674 {strides = array<i32>} : memref<32768xf32, #tpu.memory_space<vmem>>, vector<16xf32>,
      %add3A_679 = arith.constant 30 : i32
      %add3A_680 = vector.broadcast %add3A_679 : i32 to vector<16xi32>
      %add3A_681 = arith.addi %mul3A_34, %add3A_680 : vector<16xi32>
      %gather3A_682 = tpu.vector_load_idx %arg10[%add3A_681] : memref<67584xf32, #tpu.memory_space<vmem>>[vector<16xi32>], vector<16xf32>,
      %add3A_683 = arith.constant 30 : i32
      %add3A_684 = vector.broadcast %add3A_683 : i32 to vector<16xi32>
      %add3A_685 = arith.addi %mul3A_39, %add3A_684 : vector<16xi32>
      %gather3A_686 = tpu.vector_load_idx %arg10[%add3A_685] : memref<67584xf32, #tpu.memory_space<vmem>>[vector<16xi32>], vector<16xf32>,
      %add3A_687 = arith.constant 30 : i32
      %add3A_688 = vector.broadcast %add3A_687 : i32 to vector<16xi32>
      %add3A_689 = arith.addi %mul3A_44, %add3A_688 : vector<16xi32>
      %gather3A_690 = tpu.vector_load_idx %arg10[%add3A_689] : memref<67584xf32, #tpu.memory_space<vmem>>[vector<16xi32>], vector<16xf32>,
      %mul3A_691 = arith.mulf %get3A_46, %gather3A_682 : vector<16xf32>
      %mul3A_692 = arith.mulf %get3A_48, %gather3A_686 : vector<16xf32>
      %add3A_693 = arith.addf %mul3A_691, %mul3A_692 : vector<16xf32>
      %mul3A_694 = arith.mulf %get3A_50, %gather3A_690 : vector<16xf32>
      %add3A_695 = arith.addf %add3A_693, %mul3A_694 : vector<16xf32>
      %add3A_696 = arith.constant 30720 : i32
      %add3A_697 = arith.addi %add3A_696, %mul3A_30 : i32
      %swap3A_698 = arith.index_cast %add3A_697 : i32 to index
      %swap3A_699 = tpu.vector_load %arg17[%swap3A_698] {strides = array<i32>} : memref<32768xf32, #tpu.memory_space<vmem>>, vector<16xf32>,
      tpu.vector_store %arg17[%swap3A_698], %add3A_695 {strides = array<i32>} : memref<32768xf32, #tpu.memory_space<vmem>>, vector<16xf32>,
      %add3A_700 = arith.constant 31 : i32
      %add3A_701 = vector.broadcast %add3A_700 : i32 to vector<16xi32>
      %add3A_702 = arith.addi %mul3A_34, %add3A_701 : vector<16xi32>
      %gather3A_703 = tpu.vector_load_idx %arg10[%add3A_702] : memref<67584xf32, #tpu.memory_space<vmem>>[vector<16xi32>], vector<16xf32>,
      %add3A_704 = arith.constant 31 : i32
      %add3A_705 = vector.broadcast %add3A_704 : i32 to vector<16xi32>
      %add3A_706 = arith.addi %mul3A_39, %add3A_705 : vector<16xi32>
      %gather3A_707 = tpu.vector_load_idx %arg10[%add3A_706] : memref<67584xf32, #tpu.memory_space<vmem>>[vector<16xi32>], vector<16xf32>,
      %add3A_708 = arith.constant 31 : i32
      %add3A_709 = vector.broadcast %add3A_708 : i32 to vector<16xi32>
      %add3A_710 = arith.addi %mul3A_44, %add3A_709 : vector<16xi32>
      %gather3A_711 = tpu.vector_load_idx %arg10[%add3A_710] : memref<67584xf32, #tpu.memory_space<vmem>>[vector<16xi32>], vector<16xf32>,
      %mul3A_712 = arith.mulf %get3A_46, %gather3A_703 : vector<16xf32>
      %mul3A_713 = arith.mulf %get3A_48, %gather3A_707 : vector<16xf32>
      %add3A_714 = arith.addf %mul3A_712, %mul3A_713 : vector<16xf32>
      %mul3A_715 = arith.mulf %get3A_50, %gather3A_711 : vector<16xf32>
      %add3A_716 = arith.addf %add3A_714, %mul3A_715 : vector<16xf32>
      %add3A_717 = arith.constant 31744 : i32
      %add3A_718 = arith.addi %add3A_717, %mul3A_30 : i32
      %swap3A_719 = arith.index_cast %add3A_718 : i32 to index
      %swap3A_720 = tpu.vector_load %arg17[%swap3A_719] {strides = array<i32>} : memref<32768xf32, #tpu.memory_space<vmem>>, vector<16xf32>,
      tpu.vector_store %arg17[%swap3A_719], %add3A_716 {strides = array<i32>} : memref<32768xf32, #tpu.memory_space<vmem>>, vector<16xf32>,
    }
    %scan3A_23 = arith.constant 64 : i32
    %mul3A_24 = arith.constant 1024 : i32
    %mul3A_25 = arith.muli %add3A, %mul3A_24 : i32
    %mul3A_26 = arith.constant 32 : i32
    %mul3A_27 = arith.muli %mul3A_25, %mul3A_26 : i32
    "tpu.region"() ({
      %run_scoped3A = tpu.sem_alloc : memref<!tpu.dma_semaphore, #tpu.memory_space<semaphore_mem>>
      %dma_start3A = tpu.memref_slice %arg9[%mul3A_27] : memref<1048576xf32, #tpu.memory_space<hbm>> -> memref<32768xf32, #tpu.memory_space<hbm>>
      %dma_start3A_28 = tpu.memref_slice %arg9[%mul3A_27] : memref<1048576xf32, #tpu.memory_space<hbm>> -> memref<32768xf32, #tpu.memory_space<hbm>>
      tpu.enqueue_dma source(%arg17 : memref<32768xf32, #tpu.memory_space<vmem>>) target(%dma_start3A_28 : memref<32768xf32, #tpu.memory_space<hbm>>) target_semaphore(%run_scoped3A : memref<!tpu.dma_semaphore, #tpu.memory_space<semaphore_mem>>)
      %dma_wait3A = tpu.memref_slice %arg9[%mul3A_27] : memref<1048576xf32, #tpu.memory_space<hbm>> -> memref<32768xf32, #tpu.memory_space<hbm>>
      %dma_wait3A_29 = tpu.memref_slice %arg9[%mul3A_27] : memref<1048576xf32, #tpu.memory_space<hbm>> -> memref<32768xf32, #tpu.memory_space<hbm>>
      tpu.wait_dma2 semaphore(%run_scoped3A : memref<!tpu.dma_semaphore, #tpu.memory_space<semaphore_mem>>) src(%arg17 : memref<32768xf32, #tpu.memory_space<vmem>>) dst(%dma_wait3A_29 : memref<32768xf32, #tpu.memory_space<hbm>>)
      tpu.yield
    }) : () -> ()
    return
  }
}

module attributes {stable_mosaic.version = 14 : i64} {
  func.func @_tc_topk_body(%arg0: i32, %arg1: i32, %arg2: memref<1x2048x3xf32, #tpu.memory_space<vmem>>, %arg3: memref<1x3x4096xf32, #tpu.memory_space<vmem>>, %arg4: memref<1x1x4096xi32, #tpu.memory_space<vmem>>, %arg5: memref<1x1x4096xi32, #tpu.memory_space<vmem>>, %arg6: memref<1x1x4096xi32, #tpu.memory_space<vmem>>, %arg7: memref<1x1x4096xf32, #tpu.memory_space<vmem>>, %arg8: memref<1x1x4096xf32, #tpu.memory_space<vmem>>, %arg9: memref<1x1x4096xf32, #tpu.memory_space<vmem>>) attributes {dimension_semantics = [#tpu.dimension_semantics<parallel>, #tpu.dimension_semantics<parallel>], iteration_bounds = array<i64: 4, 2>, scalar_prefetch = 0 : i64, scratch_operands = 0 : i64, tpu.core_type = #tpu.core_type<tc>, window_params = [{transform_indices = @transform_0, window_bounds = array<i64: 1, 2048, 3>}, {transform_indices = @transform_1, window_bounds = array<i64: 1, 3, 4096>}, {transform_indices = @transform_2, window_bounds = array<i64: 1, 1, 4096>}, {transform_indices = @transform_3, window_bounds = array<i64: 1, 1, 4096>}, {transform_indices = @transform_4, window_bounds = array<i64: 1, 1, 4096>}, {transform_indices = @transform_5, window_bounds = array<i64: 1, 1, 4096>}, {transform_indices = @transform_6, window_bounds = array<i64: 1, 1, 4096>}, {transform_indices = @transform_7, window_bounds = array<i64: 1, 1, 4096>}]} {
    %get3A = arith.constant 0 : index
    %get3A_0 = arith.constant 0 : index
    %get3A_1 = arith.constant 0 : index
    %get3A_2 = vector.load %arg2[%get3A, %get3A_0, %get3A_1] : memref<1x2048x3xf32, #tpu.memory_space<vmem>>, vector<1x2048x3xf32>
    %get3A_3 = vector.shape_cast %get3A_2 : vector<1x2048x3xf32> to vector<2048x3xf32>
    %mul3A = arith.constant -2.000000e+00 : f32
    %mul3A_4 = vector.broadcast %mul3A : f32 to vector<2048x3xf32>
    %mul3A_5 = arith.mulf %get3A_3, %mul3A_4 : vector<2048x3xf32>
    %get3A_6 = arith.constant 0 : index
    %get3A_7 = arith.constant 0 : index
    %get3A_8 = arith.constant 0 : index
    %get3A_9 = vector.load %arg3[%get3A_6, %get3A_7, %get3A_8] : memref<1x3x4096xf32, #tpu.memory_space<vmem>>, vector<1x3x4096xf32>
    %get3A_10 = vector.shape_cast %get3A_9 : vector<1x3x4096xf32> to vector<3x4096xf32>
    %mul3A_11 = arith.mulf %mul3A_5, %mul3A_5 : vector<2048x3xf32>
    %reduce_sum3A = arith.constant dense<0.000000e+00> : vector<2048xf32>
    %reduce_sum3A_12 = vector.multi_reduction <add>, %mul3A_11, %reduce_sum3A [1] : vector<2048x3xf32> to vector<2048xf32>
    %broadcast_in_dim3A = vector.shape_cast %reduce_sum3A_12 : vector<2048xf32> to vector<2048x1xf32>
    %mul3A_13 = arith.constant 2.500000e-01 : f32
    %mul3A_14 = vector.broadcast %mul3A_13 : f32 to vector<2048x1xf32>
    %mul3A_15 = arith.mulf %broadcast_in_dim3A, %mul3A_14 : vector<2048x1xf32>
    %mul3A_16 = arith.mulf %get3A_10, %get3A_10 : vector<3x4096xf32>
    %reduce_sum3A_17 = arith.constant dense<0.000000e+00> : vector<4096xf32>
    %reduce_sum3A_18 = vector.multi_reduction <add>, %mul3A_16, %reduce_sum3A_17 [0] : vector<3x4096xf32> to vector<4096xf32>
    %broadcast_in_dim3A_19 = vector.shape_cast %reduce_sum3A_18 : vector<4096xf32> to vector<1x4096xf32>
    %add3A = arith.constant 3.125000e-02 : f32
    %add3A_20 = vector.broadcast %add3A : f32 to vector<1x4096xf32>
    %add3A_21 = arith.addf %broadcast_in_dim3A_19, %add3A_20 : vector<1x4096xf32>
    %dot_general3A = arith.constant dense<0.000000e+00> : vector<2048x4096xf32>
    %dot_general3A_22 = tpu.matmul %mul3A_5, %get3A_10, %dot_general3A {dimension_numbers = #tpu.dot_dimension_numbers<[1], [0], [0], [1], [0, 0, 1, 1], [], []>, transpose_lhs_hint = false} : vector<2048x3xf32>, vector<3x4096xf32>, vector<2048x4096xf32> -> vector<2048x4096xf32>
    %add3A_23 = vector.broadcast %mul3A_15 : vector<2048x1xf32> to vector<2048x4096xf32>
    %add3A_24 = arith.addf %dot_general3A_22, %add3A_23 : vector<2048x4096xf32>
    %add3A_25 = vector.broadcast %add3A_21 : vector<1x4096xf32> to vector<2048x4096xf32>
    %add3A_26 = arith.addf %add3A_24, %add3A_25 : vector<2048x4096xf32>
    %bitcast_convert_type3A = tpu.bitcast %add3A_26 : vector<2048x4096xf32> -> vector<2048x4096xi32>
    %broadcast_in_dim3A_27 = arith.constant 0x7F800000 : f32
    %broadcast_in_dim3A_28 = vector.broadcast %broadcast_in_dim3A_27 : f32 to vector<256x4096xf32>
    %slice3A = vector.extract_strided_slice %bitcast_convert_type3A {offsets = [0, 0], sizes = [256, 4096], strides = [1, 1]} : vector<2048x4096xi32> to vector<256x4096xi32>
    %and3A = arith.constant -8 : i32
    %and3A_29 = vector.broadcast %and3A : i32 to vector<256x4096xi32>
    %and3A_30 = arith.andi %slice3A, %and3A_29 : vector<256x4096xi32>
    %or3A = arith.constant 0 : i32
    %or3A_31 = vector.broadcast %or3A : i32 to vector<256x4096xi32>
    %or3A_32 = arith.ori %and3A_30, %or3A_31 : vector<256x4096xi32>
    %bitcast_convert_type3A_33 = tpu.bitcast %or3A_32 : vector<256x4096xi32> -> vector<256x4096xf32>
    %max3A = arith.maximumf %broadcast_in_dim3A_28, %bitcast_convert_type3A_33 : vector<256x4096xf32>
    %min3A = arith.minimumf %broadcast_in_dim3A_28, %bitcast_convert_type3A_33 : vector<256x4096xf32>
    %max3A_34 = arith.maximumf %broadcast_in_dim3A_28, %max3A : vector<256x4096xf32>
    %min3A_35 = arith.minimumf %broadcast_in_dim3A_28, %max3A : vector<256x4096xf32>
    %min3A_36 = arith.minimumf %broadcast_in_dim3A_28, %max3A_34 : vector<256x4096xf32>
    %slice3A_37 = vector.extract_strided_slice %bitcast_convert_type3A {offsets = [256, 0], sizes = [256, 4096], strides = [1, 1]} : vector<2048x4096xi32> to vector<256x4096xi32>
    %and3A_38 = arith.constant -8 : i32
    %and3A_39 = vector.broadcast %and3A_38 : i32 to vector<256x4096xi32>
    %and3A_40 = arith.andi %slice3A_37, %and3A_39 : vector<256x4096xi32>
    %or3A_41 = arith.constant 1 : i32
    %or3A_42 = vector.broadcast %or3A_41 : i32 to vector<256x4096xi32>
    %or3A_43 = arith.ori %and3A_40, %or3A_42 : vector<256x4096xi32>
    %bitcast_convert_type3A_44 = tpu.bitcast %or3A_43 : vector<256x4096xi32> -> vector<256x4096xf32>
    %max3A_45 = arith.maximumf %min3A, %bitcast_convert_type3A_44 : vector<256x4096xf32>
    %min3A_46 = arith.minimumf %min3A, %bitcast_convert_type3A_44 : vector<256x4096xf32>
    %max3A_47 = arith.maximumf %min3A_35, %max3A_45 : vector<256x4096xf32>
    %min3A_48 = arith.minimumf %min3A_35, %max3A_45 : vector<256x4096xf32>
    %min3A_49 = arith.minimumf %min3A_36, %max3A_47 : vector<256x4096xf32>
    %slice3A_50 = vector.extract_strided_slice %bitcast_convert_type3A {offsets = [512, 0], sizes = [256, 4096], strides = [1, 1]} : vector<2048x4096xi32> to vector<256x4096xi32>
    %and3A_51 = arith.constant -8 : i32
    %and3A_52 = vector.broadcast %and3A_51 : i32 to vector<256x4096xi32>
    %and3A_53 = arith.andi %slice3A_50, %and3A_52 : vector<256x4096xi32>
    %or3A_54 = arith.constant 2 : i32
    %or3A_55 = vector.broadcast %or3A_54 : i32 to vector<256x4096xi32>
    %or3A_56 = arith.ori %and3A_53, %or3A_55 : vector<256x4096xi32>
    %bitcast_convert_type3A_57 = tpu.bitcast %or3A_56 : vector<256x4096xi32> -> vector<256x4096xf32>
    %max3A_58 = arith.maximumf %min3A_46, %bitcast_convert_type3A_57 : vector<256x4096xf32>
    %min3A_59 = arith.minimumf %min3A_46, %bitcast_convert_type3A_57 : vector<256x4096xf32>
    %max3A_60 = arith.maximumf %min3A_48, %max3A_58 : vector<256x4096xf32>
    %min3A_61 = arith.minimumf %min3A_48, %max3A_58 : vector<256x4096xf32>
    %min3A_62 = arith.minimumf %min3A_49, %max3A_60 : vector<256x4096xf32>
    %slice3A_63 = vector.extract_strided_slice %bitcast_convert_type3A {offsets = [768, 0], sizes = [256, 4096], strides = [1, 1]} : vector<2048x4096xi32> to vector<256x4096xi32>
    %and3A_64 = arith.constant -8 : i32
    %and3A_65 = vector.broadcast %and3A_64 : i32 to vector<256x4096xi32>
    %and3A_66 = arith.andi %slice3A_63, %and3A_65 : vector<256x4096xi32>
    %or3A_67 = arith.constant 3 : i32
    %or3A_68 = vector.broadcast %or3A_67 : i32 to vector<256x4096xi32>
    %or3A_69 = arith.ori %and3A_66, %or3A_68 : vector<256x4096xi32>
    %bitcast_convert_type3A_70 = tpu.bitcast %or3A_69 : vector<256x4096xi32> -> vector<256x4096xf32>
    %max3A_71 = arith.maximumf %min3A_59, %bitcast_convert_type3A_70 : vector<256x4096xf32>
    %min3A_72 = arith.minimumf %min3A_59, %bitcast_convert_type3A_70 : vector<256x4096xf32>
    %max3A_73 = arith.maximumf %min3A_61, %max3A_71 : vector<256x4096xf32>
    %min3A_74 = arith.minimumf %min3A_61, %max3A_71 : vector<256x4096xf32>
    %min3A_75 = arith.minimumf %min3A_62, %max3A_73 : vector<256x4096xf32>
    %slice3A_76 = vector.extract_strided_slice %bitcast_convert_type3A {offsets = [1024, 0], sizes = [256, 4096], strides = [1, 1]} : vector<2048x4096xi32> to vector<256x4096xi32>
    %and3A_77 = arith.constant -8 : i32
    %and3A_78 = vector.broadcast %and3A_77 : i32 to vector<256x4096xi32>
    %and3A_79 = arith.andi %slice3A_76, %and3A_78 : vector<256x4096xi32>
    %or3A_80 = arith.constant 4 : i32
    %or3A_81 = vector.broadcast %or3A_80 : i32 to vector<256x4096xi32>
    %or3A_82 = arith.ori %and3A_79, %or3A_81 : vector<256x4096xi32>
    %bitcast_convert_type3A_83 = tpu.bitcast %or3A_82 : vector<256x4096xi32> -> vector<256x4096xf32>
    %max3A_84 = arith.maximumf %min3A_72, %bitcast_convert_type3A_83 : vector<256x4096xf32>
    %min3A_85 = arith.minimumf %min3A_72, %bitcast_convert_type3A_83 : vector<256x4096xf32>
    %max3A_86 = arith.maximumf %min3A_74, %max3A_84 : vector<256x4096xf32>
    %min3A_87 = arith.minimumf %min3A_74, %max3A_84 : vector<256x4096xf32>
    %min3A_88 = arith.minimumf %min3A_75, %max3A_86 : vector<256x4096xf32>
    %slice3A_89 = vector.extract_strided_slice %bitcast_convert_type3A {offsets = [1280, 0], sizes = [256, 4096], strides = [1, 1]} : vector<2048x4096xi32> to vector<256x4096xi32>
    %and3A_90 = arith.constant -8 : i32
    %and3A_91 = vector.broadcast %and3A_90 : i32 to vector<256x4096xi32>
    %and3A_92 = arith.andi %slice3A_89, %and3A_91 : vector<256x4096xi32>
    %or3A_93 = arith.constant 5 : i32
    %or3A_94 = vector.broadcast %or3A_93 : i32 to vector<256x4096xi32>
    %or3A_95 = arith.ori %and3A_92, %or3A_94 : vector<256x4096xi32>
    %bitcast_convert_type3A_96 = tpu.bitcast %or3A_95 : vector<256x4096xi32> -> vector<256x4096xf32>
    %max3A_97 = arith.maximumf %min3A_85, %bitcast_convert_type3A_96 : vector<256x4096xf32>
    %min3A_98 = arith.minimumf %min3A_85, %bitcast_convert_type3A_96 : vector<256x4096xf32>
    %max3A_99 = arith.maximumf %min3A_87, %max3A_97 : vector<256x4096xf32>
    %min3A_100 = arith.minimumf %min3A_87, %max3A_97 : vector<256x4096xf32>
    %min3A_101 = arith.minimumf %min3A_88, %max3A_99 : vector<256x4096xf32>
    %slice3A_102 = vector.extract_strided_slice %bitcast_convert_type3A {offsets = [1536, 0], sizes = [256, 4096], strides = [1, 1]} : vector<2048x4096xi32> to vector<256x4096xi32>
    %and3A_103 = arith.constant -8 : i32
    %and3A_104 = vector.broadcast %and3A_103 : i32 to vector<256x4096xi32>
    %and3A_105 = arith.andi %slice3A_102, %and3A_104 : vector<256x4096xi32>
    %or3A_106 = arith.constant 6 : i32
    %or3A_107 = vector.broadcast %or3A_106 : i32 to vector<256x4096xi32>
    %or3A_108 = arith.ori %and3A_105, %or3A_107 : vector<256x4096xi32>
    %bitcast_convert_type3A_109 = tpu.bitcast %or3A_108 : vector<256x4096xi32> -> vector<256x4096xf32>
    %max3A_110 = arith.maximumf %min3A_98, %bitcast_convert_type3A_109 : vector<256x4096xf32>
    %min3A_111 = arith.minimumf %min3A_98, %bitcast_convert_type3A_109 : vector<256x4096xf32>
    %max3A_112 = arith.maximumf %min3A_100, %max3A_110 : vector<256x4096xf32>
    %min3A_113 = arith.minimumf %min3A_100, %max3A_110 : vector<256x4096xf32>
    %min3A_114 = arith.minimumf %min3A_101, %max3A_112 : vector<256x4096xf32>
    %slice3A_115 = vector.extract_strided_slice %bitcast_convert_type3A {offsets = [1792, 0], sizes = [256, 4096], strides = [1, 1]} : vector<2048x4096xi32> to vector<256x4096xi32>
    %and3A_116 = arith.constant -8 : i32
    %and3A_117 = vector.broadcast %and3A_116 : i32 to vector<256x4096xi32>
    %and3A_118 = arith.andi %slice3A_115, %and3A_117 : vector<256x4096xi32>
    %or3A_119 = arith.constant 7 : i32
    %or3A_120 = vector.broadcast %or3A_119 : i32 to vector<256x4096xi32>
    %or3A_121 = arith.ori %and3A_118, %or3A_120 : vector<256x4096xi32>
    %bitcast_convert_type3A_122 = tpu.bitcast %or3A_121 : vector<256x4096xi32> -> vector<256x4096xf32>
    %max3A_123 = arith.maximumf %min3A_111, %bitcast_convert_type3A_122 : vector<256x4096xf32>
    %min3A_124 = arith.minimumf %min3A_111, %bitcast_convert_type3A_122 : vector<256x4096xf32>
    %max3A_125 = arith.maximumf %min3A_113, %max3A_123 : vector<256x4096xf32>
    %min3A_126 = arith.minimumf %min3A_113, %max3A_123 : vector<256x4096xf32>
    %min3A_127 = arith.minimumf %min3A_114, %max3A_125 : vector<256x4096xf32>
    %iota3A = tpu.iota {dimensions = array<i32: 0>} : vector<256x4096xi32>
    %convert_element_type3A = arith.sitofp %iota3A : vector<256x4096xi32> to vector<256x4096xf32>
    %reduce_min3A = arith.constant dense<0x7F800000> : vector<4096xf32>
    %reduce_min3A_128 = vector.multi_reduction <minimumf>, %min3A_124, %reduce_min3A [0] : vector<256x4096xf32> to vector<4096xf32>
    %broadcast_in_dim3A_129 = vector.shape_cast %reduce_min3A_128 : vector<4096xf32> to vector<1x4096xf32>
    %eq3A = vector.broadcast %broadcast_in_dim3A_129 : vector<1x4096xf32> to vector<256x4096xf32>
    %eq3A_130 = arith.cmpf oeq, %min3A_124, %eq3A : vector<256x4096xf32>
    %jit3A = arith.constant 2.560000e+02 : f32
    %broadcast_in_dim3A_131 = vector.broadcast %jit3A : f32 to vector<256x4096xf32>
    %select_n3A = arith.select %eq3A_130, %convert_element_type3A, %broadcast_in_dim3A_131 : vector<256x4096xi1>, vector<256x4096xf32>
    %reduce_min3A_132 = arith.constant dense<0x7F800000> : vector<4096xf32>
    %reduce_min3A_133 = vector.multi_reduction <minimumf>, %select_n3A, %reduce_min3A_132 [0] : vector<256x4096xf32> to vector<4096xf32>
    %broadcast_in_dim3A_134 = vector.shape_cast %reduce_min3A_133 : vector<4096xf32> to vector<1x4096xf32>
    %bitcast_convert_type3A_135 = tpu.bitcast %broadcast_in_dim3A_129 : vector<1x4096xf32> -> vector<1x4096xi32>
    %eq3A_136 = vector.broadcast %broadcast_in_dim3A_134 : vector<1x4096xf32> to vector<256x4096xf32>
    %eq3A_137 = arith.cmpf oeq, %convert_element_type3A, %eq3A_136 : vector<256x4096xf32>
    %select_n3A_138 = arith.select %eq3A_137, %min3A_126, %min3A_124 : vector<256x4096xi1>, vector<256x4096xf32>
    %select_n3A_139 = arith.select %eq3A_137, %min3A_127, %min3A_126 : vector<256x4096xi1>, vector<256x4096xf32>
    %reduce_min3A_140 = arith.constant dense<0x7F800000> : vector<4096xf32>
    %reduce_min3A_141 = vector.multi_reduction <minimumf>, %select_n3A_138, %reduce_min3A_140 [0] : vector<256x4096xf32> to vector<4096xf32>
    %broadcast_in_dim3A_142 = vector.shape_cast %reduce_min3A_141 : vector<4096xf32> to vector<1x4096xf32>
    %eq3A_143 = vector.broadcast %broadcast_in_dim3A_142 : vector<1x4096xf32> to vector<256x4096xf32>
    %eq3A_144 = arith.cmpf oeq, %select_n3A_138, %eq3A_143 : vector<256x4096xf32>
    %jit3A_145 = arith.constant 2.560000e+02 : f32
    %broadcast_in_dim3A_146 = vector.broadcast %jit3A_145 : f32 to vector<256x4096xf32>
    %select_n3A_147 = arith.select %eq3A_144, %convert_element_type3A, %broadcast_in_dim3A_146 : vector<256x4096xi1>, vector<256x4096xf32>
    %reduce_min3A_148 = arith.constant dense<0x7F800000> : vector<4096xf32>
    %reduce_min3A_149 = vector.multi_reduction <minimumf>, %select_n3A_147, %reduce_min3A_148 [0] : vector<256x4096xf32> to vector<4096xf32>
    %broadcast_in_dim3A_150 = vector.shape_cast %reduce_min3A_149 : vector<4096xf32> to vector<1x4096xf32>
    %bitcast_convert_type3A_151 = tpu.bitcast %broadcast_in_dim3A_142 : vector<1x4096xf32> -> vector<1x4096xi32>
    %eq3A_152 = vector.broadcast %broadcast_in_dim3A_150 : vector<1x4096xf32> to vector<256x4096xf32>
    %eq3A_153 = arith.cmpf oeq, %convert_element_type3A, %eq3A_152 : vector<256x4096xf32>
    %select_n3A_154 = arith.select %eq3A_153, %select_n3A_139, %select_n3A_138 : vector<256x4096xi1>, vector<256x4096xf32>
    %reduce_min3A_155 = arith.constant dense<0x7F800000> : vector<4096xf32>
    %reduce_min3A_156 = vector.multi_reduction <minimumf>, %select_n3A_154, %reduce_min3A_155 [0] : vector<256x4096xf32> to vector<4096xf32>
    %broadcast_in_dim3A_157 = vector.shape_cast %reduce_min3A_156 : vector<4096xf32> to vector<1x4096xf32>
    %eq3A_158 = vector.broadcast %broadcast_in_dim3A_157 : vector<1x4096xf32> to vector<256x4096xf32>
    %eq3A_159 = arith.cmpf oeq, %select_n3A_154, %eq3A_158 : vector<256x4096xf32>
    %jit3A_160 = arith.constant 2.560000e+02 : f32
    %broadcast_in_dim3A_161 = vector.broadcast %jit3A_160 : f32 to vector<256x4096xf32>
    %select_n3A_162 = arith.select %eq3A_159, %convert_element_type3A, %broadcast_in_dim3A_161 : vector<256x4096xi1>, vector<256x4096xf32>
    %reduce_min3A_163 = arith.constant dense<0x7F800000> : vector<4096xf32>
    %reduce_min3A_164 = vector.multi_reduction <minimumf>, %select_n3A_162, %reduce_min3A_163 [0] : vector<256x4096xf32> to vector<4096xf32>
    %broadcast_in_dim3A_165 = vector.shape_cast %reduce_min3A_164 : vector<4096xf32> to vector<1x4096xf32>
    %bitcast_convert_type3A_166 = tpu.bitcast %broadcast_in_dim3A_157 : vector<1x4096xf32> -> vector<1x4096xi32>
    %and3A_167 = arith.constant 7 : i32
    %and3A_168 = vector.broadcast %and3A_167 : i32 to vector<1x4096xi32>
    %and3A_169 = arith.andi %bitcast_convert_type3A_135, %and3A_168 : vector<1x4096xi32>
    %mul3A_170 = arith.constant 256 : i32
    %mul3A_171 = vector.broadcast %mul3A_170 : i32 to vector<1x4096xi32>
    %mul3A_172 = arith.muli %and3A_169, %mul3A_171 : vector<1x4096xi32>
    %convert_element_type3A_173 = arith.fptosi %broadcast_in_dim3A_134 : vector<1x4096xf32> to vector<1x4096xi32>
    %add3A_174 = arith.addi %mul3A_172, %convert_element_type3A_173 : vector<1x4096xi32>
    %and3A_175 = arith.constant 7 : i32
    %and3A_176 = vector.broadcast %and3A_175 : i32 to vector<1x4096xi32>
    %and3A_177 = arith.andi %bitcast_convert_type3A_151, %and3A_176 : vector<1x4096xi32>
    %mul3A_178 = arith.constant 256 : i32
    %mul3A_179 = vector.broadcast %mul3A_178 : i32 to vector<1x4096xi32>
    %mul3A_180 = arith.muli %and3A_177, %mul3A_179 : vector<1x4096xi32>
    %convert_element_type3A_181 = arith.fptosi %broadcast_in_dim3A_150 : vector<1x4096xf32> to vector<1x4096xi32>
    %add3A_182 = arith.addi %mul3A_180, %convert_element_type3A_181 : vector<1x4096xi32>
    %and3A_183 = arith.constant 7 : i32
    %and3A_184 = vector.broadcast %and3A_183 : i32 to vector<1x4096xi32>
    %and3A_185 = arith.andi %bitcast_convert_type3A_166, %and3A_184 : vector<1x4096xi32>
    %mul3A_186 = arith.constant 256 : i32
    %mul3A_187 = vector.broadcast %mul3A_186 : i32 to vector<1x4096xi32>
    %mul3A_188 = arith.muli %and3A_185, %mul3A_187 : vector<1x4096xi32>
    %convert_element_type3A_189 = arith.fptosi %broadcast_in_dim3A_165 : vector<1x4096xf32> to vector<1x4096xi32>
    %add3A_190 = arith.addi %mul3A_188, %convert_element_type3A_189 : vector<1x4096xi32>
    %and3A_191 = arith.constant -8 : i32
    %and3A_192 = vector.broadcast %and3A_191 : i32 to vector<1x4096xi32>
    %and3A_193 = arith.andi %bitcast_convert_type3A_135, %and3A_192 : vector<1x4096xi32>
    %bitcast_convert_type3A_194 = tpu.bitcast %and3A_193 : vector<1x4096xi32> -> vector<1x4096xf32>
    %sub3A = arith.constant 3.125000e-02 : f32
    %sub3A_195 = vector.broadcast %sub3A : f32 to vector<1x4096xf32>
    %sub3A_196 = arith.subf %bitcast_convert_type3A_194, %sub3A_195 : vector<1x4096xf32>
    %max3A_197 = arith.constant 1.000000e-10 : f32
    %max3A_198 = vector.broadcast %max3A_197 : f32 to vector<1x4096xf32>
    %max3A_199 = arith.maximumf %sub3A_196, %max3A_198 : vector<1x4096xf32>
    %div3A = arith.constant 1.000000e+00 : f32
    %div3A_200 = vector.broadcast %div3A : f32 to vector<1x4096xf32>
    %div3A_201 = arith.divf %div3A_200, %max3A_199 : vector<1x4096xf32>
    %and3A_202 = arith.constant -8 : i32
    %and3A_203 = vector.broadcast %and3A_202 : i32 to vector<1x4096xi32>
    %and3A_204 = arith.andi %bitcast_convert_type3A_151, %and3A_203 : vector<1x4096xi32>
    %bitcast_convert_type3A_205 = tpu.bitcast %and3A_204 : vector<1x4096xi32> -> vector<1x4096xf32>
    %sub3A_206 = arith.constant 3.125000e-02 : f32
    %sub3A_207 = vector.broadcast %sub3A_206 : f32 to vector<1x4096xf32>
    %sub3A_208 = arith.subf %bitcast_convert_type3A_205, %sub3A_207 : vector<1x4096xf32>
    %max3A_209 = arith.constant 1.000000e-10 : f32
    %max3A_210 = vector.broadcast %max3A_209 : f32 to vector<1x4096xf32>
    %max3A_211 = arith.maximumf %sub3A_208, %max3A_210 : vector<1x4096xf32>
    %div3A_212 = arith.constant 1.000000e+00 : f32
    %div3A_213 = vector.broadcast %div3A_212 : f32 to vector<1x4096xf32>
    %div3A_214 = arith.divf %div3A_213, %max3A_211 : vector<1x4096xf32>
    %and3A_215 = arith.constant -8 : i32
    %and3A_216 = vector.broadcast %and3A_215 : i32 to vector<1x4096xi32>
    %and3A_217 = arith.andi %bitcast_convert_type3A_166, %and3A_216 : vector<1x4096xi32>
    %bitcast_convert_type3A_218 = tpu.bitcast %and3A_217 : vector<1x4096xi32> -> vector<1x4096xf32>
    %sub3A_219 = arith.constant 3.125000e-02 : f32
    %sub3A_220 = vector.broadcast %sub3A_219 : f32 to vector<1x4096xf32>
    %sub3A_221 = arith.subf %bitcast_convert_type3A_218, %sub3A_220 : vector<1x4096xf32>
    %max3A_222 = arith.constant 1.000000e-10 : f32
    %max3A_223 = vector.broadcast %max3A_222 : f32 to vector<1x4096xf32>
    %max3A_224 = arith.maximumf %sub3A_221, %max3A_223 : vector<1x4096xf32>
    %div3A_225 = arith.constant 1.000000e+00 : f32
    %div3A_226 = vector.broadcast %div3A_225 : f32 to vector<1x4096xf32>
    %div3A_227 = arith.divf %div3A_226, %max3A_224 : vector<1x4096xf32>
    %add3A_228 = arith.addf %div3A_201, %div3A_214 : vector<1x4096xf32>
    %add3A_229 = arith.addf %add3A_228, %div3A_227 : vector<1x4096xf32>
    %swap3A = arith.constant 0 : index
    %swap3A_230 = arith.constant 0 : index
    %swap3A_231 = arith.constant 0 : index
    %swap3A_232 = vector.load %arg4[%swap3A, %swap3A_230, %swap3A_231] : memref<1x1x4096xi32, #tpu.memory_space<vmem>>, vector<1x1x4096xi32>
    %swap3A_233 = vector.shape_cast %swap3A_232 : vector<1x1x4096xi32> to vector<1x4096xi32>
    %swap3A_234 = vector.shape_cast %add3A_174 : vector<1x4096xi32> to vector<1x1x4096xi32>
    tpu.vector_store %arg4[%swap3A, %swap3A_230, %swap3A_231], %swap3A_234 {strides = array<i32>} : memref<1x1x4096xi32, #tpu.memory_space<vmem>>, vector<1x1x4096xi32>,
    %swap3A_235 = arith.constant 0 : index
    %swap3A_236 = arith.constant 0 : index
    %swap3A_237 = arith.constant 0 : index
    %swap3A_238 = vector.load %arg5[%swap3A_235, %swap3A_236, %swap3A_237] : memref<1x1x4096xi32, #tpu.memory_space<vmem>>, vector<1x1x4096xi32>
    %swap3A_239 = vector.shape_cast %swap3A_238 : vector<1x1x4096xi32> to vector<1x4096xi32>
    %swap3A_240 = vector.shape_cast %add3A_182 : vector<1x4096xi32> to vector<1x1x4096xi32>
    tpu.vector_store %arg5[%swap3A_235, %swap3A_236, %swap3A_237], %swap3A_240 {strides = array<i32>} : memref<1x1x4096xi32, #tpu.memory_space<vmem>>, vector<1x1x4096xi32>,
    %swap3A_241 = arith.constant 0 : index
    %swap3A_242 = arith.constant 0 : index
    %swap3A_243 = arith.constant 0 : index
    %swap3A_244 = vector.load %arg6[%swap3A_241, %swap3A_242, %swap3A_243] : memref<1x1x4096xi32, #tpu.memory_space<vmem>>, vector<1x1x4096xi32>
    %swap3A_245 = vector.shape_cast %swap3A_244 : vector<1x1x4096xi32> to vector<1x4096xi32>
    %swap3A_246 = vector.shape_cast %add3A_190 : vector<1x4096xi32> to vector<1x1x4096xi32>
    tpu.vector_store %arg6[%swap3A_241, %swap3A_242, %swap3A_243], %swap3A_246 {strides = array<i32>} : memref<1x1x4096xi32, #tpu.memory_space<vmem>>, vector<1x1x4096xi32>,
    %div3A_247 = arith.divf %div3A_201, %add3A_229 : vector<1x4096xf32>
    %swap3A_248 = arith.constant 0 : index
    %swap3A_249 = arith.constant 0 : index
    %swap3A_250 = arith.constant 0 : index
    %swap3A_251 = vector.load %arg7[%swap3A_248, %swap3A_249, %swap3A_250] : memref<1x1x4096xf32, #tpu.memory_space<vmem>>, vector<1x1x4096xf32>
    %swap3A_252 = vector.shape_cast %swap3A_251 : vector<1x1x4096xf32> to vector<1x4096xf32>
    %swap3A_253 = vector.shape_cast %div3A_247 : vector<1x4096xf32> to vector<1x1x4096xf32>
    tpu.vector_store %arg7[%swap3A_248, %swap3A_249, %swap3A_250], %swap3A_253 {strides = array<i32>} : memref<1x1x4096xf32, #tpu.memory_space<vmem>>, vector<1x1x4096xf32>,
    %div3A_254 = arith.divf %div3A_214, %add3A_229 : vector<1x4096xf32>
    %swap3A_255 = arith.constant 0 : index
    %swap3A_256 = arith.constant 0 : index
    %swap3A_257 = arith.constant 0 : index
    %swap3A_258 = vector.load %arg8[%swap3A_255, %swap3A_256, %swap3A_257] : memref<1x1x4096xf32, #tpu.memory_space<vmem>>, vector<1x1x4096xf32>
    %swap3A_259 = vector.shape_cast %swap3A_258 : vector<1x1x4096xf32> to vector<1x4096xf32>
    %swap3A_260 = vector.shape_cast %div3A_254 : vector<1x4096xf32> to vector<1x1x4096xf32>
    tpu.vector_store %arg8[%swap3A_255, %swap3A_256, %swap3A_257], %swap3A_260 {strides = array<i32>} : memref<1x1x4096xf32, #tpu.memory_space<vmem>>, vector<1x1x4096xf32>,
    %div3A_261 = arith.divf %div3A_227, %add3A_229 : vector<1x4096xf32>
    %swap3A_262 = arith.constant 0 : index
    %swap3A_263 = arith.constant 0 : index
    %swap3A_264 = arith.constant 0 : index
    %swap3A_265 = vector.load %arg9[%swap3A_262, %swap3A_263, %swap3A_264] : memref<1x1x4096xf32, #tpu.memory_space<vmem>>, vector<1x1x4096xf32>
    %swap3A_266 = vector.shape_cast %swap3A_265 : vector<1x1x4096xf32> to vector<1x4096xf32>
    %swap3A_267 = vector.shape_cast %div3A_261 : vector<1x4096xf32> to vector<1x1x4096xf32>
    tpu.vector_store %arg9[%swap3A_262, %swap3A_263, %swap3A_264], %swap3A_267 {strides = array<i32>} : memref<1x1x4096xf32, #tpu.memory_space<vmem>>, vector<1x1x4096xf32>,
    return
  }
  func.func @transform_0(%arg0: i32, %arg1: i32) -> (i32, i32, i32) {
    %c0_i32 = arith.constant 0 : i32
    %c0_i32_0 = arith.constant 0 : i32
    %c0_i32_1 = arith.constant 0 : i32
    return %arg0, %c0_i32, %c0_i32_0 : i32, i32, i32
  }
  func.func @transform_1(%arg0: i32, %arg1: i32) -> (i32, i32, i32) {
    %c0_i32 = arith.constant 0 : i32
    %c0_i32_0 = arith.constant 0 : i32
    return %arg0, %c0_i32, %arg1 : i32, i32, i32
  }
  func.func @transform_2(%arg0: i32, %arg1: i32) -> (i32, i32, i32) {
    %mul3A = arith.constant 2 : i32
    %mul3A_0 = arith.muli %arg0, %mul3A : i32
    %add3A = arith.addi %mul3A_0, %arg1 : i32
    %c0_i32 = arith.constant 0 : i32
    %c0_i32_1 = arith.constant 0 : i32
    %c0_i32_2 = arith.constant 0 : i32
    return %add3A, %c0_i32, %c0_i32_1 : i32, i32, i32
  }
  func.func @transform_3(%arg0: i32, %arg1: i32) -> (i32, i32, i32) {
    %mul3A = arith.constant 2 : i32
    %mul3A_0 = arith.muli %arg0, %mul3A : i32
    %add3A = arith.addi %mul3A_0, %arg1 : i32
    %c0_i32 = arith.constant 0 : i32
    %c0_i32_1 = arith.constant 0 : i32
    %c0_i32_2 = arith.constant 0 : i32
    return %add3A, %c0_i32, %c0_i32_1 : i32, i32, i32
  }
  func.func @transform_4(%arg0: i32, %arg1: i32) -> (i32, i32, i32) {
    %mul3A = arith.constant 2 : i32
    %mul3A_0 = arith.muli %arg0, %mul3A : i32
    %add3A = arith.addi %mul3A_0, %arg1 : i32
    %c0_i32 = arith.constant 0 : i32
    %c0_i32_1 = arith.constant 0 : i32
    %c0_i32_2 = arith.constant 0 : i32
    return %add3A, %c0_i32, %c0_i32_1 : i32, i32, i32
  }
  func.func @transform_5(%arg0: i32, %arg1: i32) -> (i32, i32, i32) {
    %mul3A = arith.constant 2 : i32
    %mul3A_0 = arith.muli %arg0, %mul3A : i32
    %add3A = arith.addi %mul3A_0, %arg1 : i32
    %c0_i32 = arith.constant 0 : i32
    %c0_i32_1 = arith.constant 0 : i32
    %c0_i32_2 = arith.constant 0 : i32
    return %add3A, %c0_i32, %c0_i32_1 : i32, i32, i32
  }
  func.func @transform_6(%arg0: i32, %arg1: i32) -> (i32, i32, i32) {
    %mul3A = arith.constant 2 : i32
    %mul3A_0 = arith.muli %arg0, %mul3A : i32
    %add3A = arith.addi %mul3A_0, %arg1 : i32
    %c0_i32 = arith.constant 0 : i32
    %c0_i32_1 = arith.constant 0 : i32
    %c0_i32_2 = arith.constant 0 : i32
    return %add3A, %c0_i32, %c0_i32_1 : i32, i32, i32
  }
  func.func @transform_7(%arg0: i32, %arg1: i32) -> (i32, i32, i32) {
    %mul3A = arith.constant 2 : i32
    %mul3A_0 = arith.muli %arg0, %mul3A : i32
    %add3A = arith.addi %mul3A_0, %arg1 : i32
    %c0_i32 = arith.constant 0 : i32
    %c0_i32_1 = arith.constant 0 : i32
    %c0_i32_2 = arith.constant 0 : i32
    return %add3A, %c0_i32, %c0_i32_1 : i32, i32, i32
  }
}

</mosaic_0001>

<sc_bundles>
// kernel: kernel.4.cloned.1.call-start
scs
__scs_entry_jumppad:
0x0: {  	(pc) =	sbr.rel $0x88, $3  }
0x1: {  	(tag) =	ssettag $0x0;
	lr =	simm.s32 $0x1  }
0x2: {  	[smem:$0x3F9E] =	sst lr;
	_ =	strace $0xD0000000  }
0x3: {  	_ = 	snop  }
0x4: {  	_ = 	snop  }
0x5: {  	_ = 	snop  }
0x6: {  	_ = 	snop  }
0x7: {  	_ = 	snop  }
__scs_overlays_trampoline_lowered:
0x8: {  	[smem:$0x3FAD] =	sst s0  }
0x9: {  	[smem:$0x3FAE] =	sst s1  }
0xa: {  	[smem:$0x3FAF] =	sst s2  }
0xb: {  	[smem:$0x3FB0] =	sst s3  }
0xc: {  	[smem:$0x3FB1] =	sst s4  }
0xd: {  	[smem:$0x3FB2] =	sst s5  }
0xe: {  	[smem:$0x3FB3] =	sst s6  }
0xf: {  	[smem:$0x3FB4] =	sst s7  }
0x10: {  	[smem:$0x3FB5] =	sst s8  }
0x11: {  	[smem:$0x3FB6] =	sst s9;
	s0 =	simm.s32 @!p0 $0x0  }
0x12: {  	s1 =	sld [smem:$0x3F9C];
	s0 =	simm.s32 @p0 $0x1  }
0x13: {  	[smem:$0x3FB7] =	sst s0;
	s0 =	simm.s32 @!p1 $0x0  }
0x14: {  	s2 =	sld [smem:$0x3F9B];
	s0 =	simm.s32 @p1 $0x1  }
0x15: {  	[smem:$0x3FB8] =	sst s0;
	s0 =	simm.s32 @!p2 $0x0  }
0x16: {  	s3 =	sld [smem:$0x3FDB];
	s0 =	simm.s32 @p2 $0x1  }
0x17: {  	s4 =	simm.s32 $0x1BF5;
	[smem:$0x3FBA] =	sst s0  }
0x18: {  	s0 =	sld [smem:$0x3F9D];
	_ =	swait.ge [sflag:s4], $0x0  }
0x19: {  	s7 =	sld [smem:$0x3F9E]  }
0x1a: {  	s8 =	sadd.s32 $0xFFFFE003, lr  }
0x1b: {  	s9 =	sadd.s32 $0xFFFFFEF7, lr;
	s5 =	simm.s32 $0xFFFFFFFF;
	p2 =	slt.u32 s8, $0xFFFFF086  }
0x1c: {  	p1 =	slt.u32 s9, $0xF7A;
	s5 =	simm.s32 @!p2 $0x0  }
0x1d: {  	s5 =	simm.s32 @p1 $0x1;
	p0 =	seq.s32 s7, s2  }
0x1e: {  	s7 =	smul.u32 @!p0 $0xF7A, s2;
	p2 =	seq.s32 @!p0 s5, $0x0  }
0x1f: {  	s9 =	smul.u32 $0xF7A, s1;
	s8 =	simm.s32 @!p0 $0x1BF5;
	p2 =	por !p2, p0  }
0x20: {  	[sflag:s8] =	ssyncset.s32 @!p0 $0xFFFFF086;
	s6 =	sadd.s32 @!p0 s3, s7;
	s7 =	simm.s32 @!p0 $0x108  }
0x21: {  	s3 =	sadd.s32 s3, s9;
	s6 =	sadd.s32 @!p0 $0x88, s6;
	s7 =	simm.s32 @p2 $0x1082  }
0x22: {  	[simem:s7], [sflag:s8] =	dma.local @!p0 [hbm:s6], $0xF7A  }
0x23: {  	s9 =	sor.u32 $0xD0000000, s2;
	s6 =	simm.s32 $0x108;
	_ =	swait.ge @!p0 [sflag:s8], $0x0  }
0x24: {  	s3 =	sadd.s32 $0x88, s3;
	s6 =	simm.s32 @!p1 $0x1082;
	[sflag:s4] =	ssyncset.s32 $0xFFFFF086  }
0x25: {  	[simem:s6], [sflag:s4] =	dma.local [hbm:s3], $0xF7A  }
0x26: {  	[smem:$0x3F9E] =	sst s1;
	(tag) =	ssettag s2;
	_ =	strace s9  }
0x27: {  	s1 =	sld [smem:$0x3FAE]  }
0x28: {  	s2 =	sld [smem:$0x3FAF]  }
0x29: {  	s4 =	sld [smem:$0x3FB1]  }
0x2a: {  	p0 =	seq.s32 s5, $0x0;
	s5 =	sld [smem:$0x3FB2]  }
0x2b: {  	s6 =	sld [smem:$0x3FB3]  }
0x2c: {  	s7 =	sld [smem:$0x3FB4]  }
0x2d: {  	s3 =	simm.s32 $0x108;
	s8 =	sld [smem:$0x3FB5]  }
0x2e: {  	s3 =	simm.s32 @!p0 $0x1082;
	s9 =	sld [smem:$0x3FB6]  }
0x2f: {  	lr =	sadd.s32 s0, s3;
	s0 =	sld [smem:$0x3FAD]  }
0x30: {  	s3 =	sld [smem:$0x3FB0]  }
0x31: {  	[smem:$0x3FB9] =	sst s10  }
0x32: {  	s10 =	sld [smem:$0x3FB7];
	_ =	sdelay $0x3  }
0x33: {  	p0 =	seq.s32 s10, $0x1;
	s10 =	sld [smem:$0x3FB9];
	_ =	sdelay $0x3  }
0x34: {  	[smem:$0x3FB9] =	sst s10  }
0x35: {  	s10 =	sld [smem:$0x3FB8];
	_ =	sdelay $0x3  }
0x36: {  	p1 =	seq.s32 s10, $0x1;
	s10 =	sld [smem:$0x3FB9];
	_ =	sdelay $0x3  }
0x37: {  	[smem:$0x3FB9] =	sst s10  }
0x38: {  	s10 =	sld [smem:$0x3FBA]  }
0x39: {  	_ = 	snop;
	(pc) =	sbr.ind lr, $3  }
0x3a: {  	_ = 	snop  }
0x3b: {  	_ = 	snop  }
0x3c: {  	p2 =	seq.s32 s10, $0x1;
	s10 =	sld [smem:$0x3FB9]  }
0x3d: {  	_ =	shalt  }
0x3e: {  	_ =	shalt  }
0x3f: {  	_ =	shalt  }
0x40: {  	_ =	shalt  }
0x41: {  	_ =	shalt  }
0x42: {  	_ =	shalt  }
0x43: {  	_ =	shalt  }
0x44: {  	_ =	shalt  }
0x45: {  	_ =	shalt  }
0x46: {  	_ =	shalt  }
0x47: {  	_ =	shalt  }
0x48: {  	_ =	shalt  }
0x49: {  	_ =	shalt  }
0x4a: {  	_ =	shalt  }
0x4b: {  	_ =	shalt  }
0x4c: {  	_ =	shalt  }
0x4d: {  	_ =	shalt  }
0x4e: {  	_ =	shalt  }
0x4f: {  	_ =	shalt  }
0x50: {  	_ =	shalt  }
0x51: {  	_ =	shalt  }
0x52: {  	_ =	shalt  }
0x53: {  	_ =	shalt  }
0x54: {  	_ =	shalt  }
0x55: {  	_ =	shalt  }
0x56: {  	_ =	shalt  }
0x57: {  	_ =	shalt  }
0x58: {  	_ =	shalt  }
0x59: {  	_ =	shalt  }
0x5a: {  	_ =	shalt  }
0x5b: {  	_ =	shalt  }
0x5c: {  	_ =	shalt  }
0x5d: {  	_ =	shalt  }
0x5e: {  	_ =	shalt  }
0x5f: {  	_ =	shalt  }
0x60: {  	_ =	shalt  }
0x61: {  	_ =	shalt  }
0x62: {  	_ =	shalt  }
0x63: {  	_ =	shalt  }
0x64: {  	_ =	shalt  }
0x65: {  	_ =	shalt  }
0x66: {  	_ =	shalt  }
0x67: {  	_ =	shalt  }
0x68: {  	_ =	shalt  }
0x69: {  	_ =	shalt  }
0x6a: {  	_ =	shalt  }
0x6b: {  	_ =	shalt  }
0x6c: {  	_ =	shalt  }
0x6d: {  	_ =	shalt  }
0x6e: {  	_ =	shalt  }
0x6f: {  	_ =	shalt  }
0x70: {  	_ =	shalt  }
0x71: {  	_ =	shalt  }
0x72: {  	_ =	shalt  }
0x73: {  	_ =	shalt  }
0x74: {  	_ =	shalt  }
0x75: {  	_ =	shalt  }
0x76: {  	_ =	shalt  }
0x77: {  	_ =	shalt  }
0x78: {  	_ =	shalt  }
0x79: {  	_ =	shalt  }
0x7a: {  	_ =	shalt  }
0x7b: {  	_ =	shalt  }
0x7c: {  	_ =	shalt  }
0x7d: {  	_ =	shalt  }
0x7e: {  	_ =	shalt  }
0x7f: {  	_ =	shalt  }
0x80: {  	_ =	shalt  }
0x81: {  	_ =	shalt  }
0x82: {  	_ =	shalt  }
0x83: {  	_ =	shalt  }
0x84: {  	_ =	shalt  }
0x85: {  	_ =	shalt  }
0x86: {  	_ =	shalt  }
0x87: {  	_ =	shalt  }
.Lfunc_end0:
.L_simem_size_0:
called_computation_lowered:
.L_overlay_start_0:
0x88: {  	s2 =	sld [smem:$0x3FD9]  }
0x89: {  	s3 =	sld [smem:$0x3FFE];
	_ =	sdelay $0x1  }
0x8a: {  	s1 =	srdreg.scid  }
0x8b: {  	s0 =	sand.u32 $0x1, s1  }
0x8c: {  	s17 =	sshll.u32 s0, $0xA;
	s2 =	sadd.s32 s3, s2  }
0x8d: {  	s2 =	sadd.s32 s2, s17  }
0x8e: {  	[smem:$0x3FC5] =	sst s2  }
0x8f: {  	_ = 	snop  }
0x90: {  	s2 =	sld [smem:$0x3FD0];
	(tm) =	ssettm $0x1  }
0x91: {  	s18 =	sld [smem:$0x3FFB];
	_ =	sdelay $0x3  }
0x92: {  	_ =	strace s18  }
0x93: {  	s3 =	sld [smem:$0x3FFC];
	_ =	sdelay $0x3  }
0x94: {  	_ =	strace s3  }
0x95: {  	s3 =	sld [smem:$0x3FFD];
	_ =	sdelay $0x3  }
0x96: {  	_ =	strace s3  }
0x97: {  	_ =	strace $0x8FFFFFFF  }
0x98: {  	s19 =	sld [smem:$0x3FDB];
	_ =	sdelay $0x1  }
0x99: {  	s4 =	simm.s32 $_scs_section_size  }
0x9a: {  	s5 =	simm.s32 $_size__tile_overlayer_lowered;
	s6 =	simm.s32 $_tile_overlayer_lowered  }
0x9b: {  	s22 =	simm.s32 $0x1BFF;
	s21 =	sshll.u32 s6, $0x1;
	s3 =	sadd.s32 s4, s19  }
0x9c: {  	s7 =	simm.s32 $0x0;
	s20 =	sshll.u32 s5, $0x1;
	s5 =	sadd.s32 s21, s3  }
0x9d: {  	[timem:s7], [sflag:s22] =	dma.local [hbm:s5], s20  }
0x9e: {  	_ =	swait.ge [sflag:s22], s20  }
0x9f: {  	s4 =	ssub.s32 $0x0, s20;
	[sflag:s22] =	ssyncset.done $0x0  }
0xa0: {  	[sflag:s22] =	ssyncadd.s32 s4;
	_ =	sdelay $0x1  }
0xa1: {  	s23 =	simm.s32 $0x1B8B  }
0xa2: {  	_ =	swait.ge [sflag:s23], $0x1  }
0xa3: {  	[sflag:s23] =	ssyncset.done $0x0  }
0xa4: {  	s25 =	simm.s32 $0x1B8E;
	s24 =	sld [smem:$0x3FFE];
	[sflag:s23] =	ssyncadd.s32 $0xFFFFFFFF  }
0xa5: {  	s26 =	simm.s32 $execute0_lowered;
	[smem:$0x3FD2] =	sst s25  }
0xa6: {  	s5 =	sshll.u32 s26, $0x1;
	_ =	strace $0x80000046;
	[dreg:$0x1] =	wrdreg $0xFFFFFFFF  }
0xa7: {  	s28 =	simm.s32 $_size_execute0_lowered;
	s3 =	sadd.s32 s3, s5;
	[dreg:$0x0] =	wrdreg $0x0  }
0xa8: {  	s5 =	sshll.u32 s28, $0x1;
	[dreg:$0x2] =	wrdreg s3  }
0xa9: {  	[dreg:$0x3] =	wrdreg s5  }
0xaa: {  	[dreg:$0x4] =	wrdreg $0xC0  }
0xab: {  	_ =	task [dreg:s7], $0x5FFFF  }
0xac: {  	[dreg:$0x1] =	wrdreg $0xFFFFFFFF  }
0xad: {  	[dreg:$0x0] =	wrdreg $0x60  }
0xae: {  	[dreg:$0x2] =	wrdreg s24  }
0xaf: {  	[dreg:$0x3] =	wrdreg s2  }
0xb0: {  	[dreg:$0x4] =	wrdreg $0x9  }
0xb1: {  	_ =	task.clear_ibuf [dreg:s7], $0x5FFFF;
	_ =	strace $0x90000046  }
0xb2: {  	s29 =	simm.s32 $0x9;
	_ =	strace $0x80000048  }
0xb3: {  	_ =	swait.ge [sflag:s29], $0x1  }
0xb4: {  	[sflag:s29] =	ssyncadd.s32 $0xFFFFFFFF  }
0xb5: {  	_ =	strace $0x90000048  }
0xb6: {  	_ =	sfence  }
0xb7: {  	s30 =	sld [smem:$0x0];
	_ =	sdelay $0x2  }
0xb8: {  	s31 =	sshll.u32 s1, $0xD;
	s1 =	sshrl.u32 s1, $0x2  }
0xb9: {  	s3 =	sand.u32 $0x4000, s31;
	s1 =	sadd.s32 s1, s30  }
0xba: {  	s0 =	sor.u32 s3, s0;
	s1 =	sshll.u32 s1, $0x11  }
0xbb: {  	s0 =	sor.u32 s1, s0  }
0xbc: {  	s0 =	sadd.s32 $0x8F2B, s0  }
0xbd: {  	[sflag:s0] =	ssyncadd.remote.s32 $0x1  }
0xbe: {  	_ =	sfence.sel $0xFFFF  }
0xbf: {  	[dreg:$0x0] =	wrdreg $0xFFFFFFFF;
	(pc) =	sbr.abs _section_cstart, $3  }
0xc0: {  	[dreg:$0x1] =	wrdreg $0xFFFFFFFF  }
0xc1: {  	_ =	task.clear_ibuf [dreg:s7], $0x2FFFF;
	_ =	strace $0x9FFFFFFF  }
0xc2: {  	(tm) =	ssettm $0x7FFFFFFF  }
0xc3: {  	_ =	shalt  }
tec
execute0_lowered:
.L_overlay_start_1:
0x0: {  	(tag) =	ssettag $0x1  }
0x1: {  	s3 =	rddreg [dreg:$0x0]  }
0x2: {  	s10 =	rddreg [dreg:$0x1]  }
0x3: {  	s0 =	rddreg [dreg:$0x2];
	s2 =	simm.s32 $0x0  }
0x4: {  	s4 =	srdreg.scid;
	s1 =	stileid.u32;
	s13 =	simm.s32 $0x200  }
0x5: {  	s14 =	simm.s32 $0x1;
	s15 =	simm.s32 $0x12000;
	s16 =	simm.s32 $0x0  }
0x6: {  	[smem:$0x7FF] =	sst s2;
	s4 =	sand.u32 $0x1, s4;
	s5 =	sshll.u32 s1, $0x1  }
0x7: {  	s31 =	sshll.u32 s1, $0x2;
	_ =	strace $0x80000047;
	s8 =	sor.u32 s4, s5  }
0x8: {  	s4 =	ssub.s32 $0x2, s4;
	s5 =	sand.u32 $0x30, s31;
	s6 =	sshll.u32 s8, $0x7  }
0x9: {  	s7 =	sshrl.u32 s4, $0x1;
	s12 =	sshll.u32 s8, $0xC;
	s9 =	sadd.s32 s6, s3  }
0xa: {  	s3 =	sadd.s32 s5, s3;
	s11 =	ssub.s32 s4, s7;
	s10 =	sadd.s32 s10, s12  }
0xb: {  	s12 =	simm.s32 $0x80;
	s3 =	sadd.s32 $0x1400, s3;
	s4 =	sadd.s32 $0x9800, s9  }
0xc: {  	s5 =	sadd.s32 $0xA800, s9;
	s6 =	sadd.s32 $0xB800, s9;
	s7 =	sadd.s32 $0xC800, s9  }
0xd: {  	s8 =	sadd.s32 $0xD800, s9;
	s9 =	sadd.s32 $0xE800, s9;
	s11 =	smax.u32 s11, $0x1  }
.LBB2_1:
0xe: {  	[tilespmem:s2], [sflag:$0x1] =	stream.strided.gather [hbm4b:s3+s12], $0x10800, s13, s12, $0x38;
	[tilespmem:$0x1A000] =	vst v63  }
0xf: {  	_ =	swait.ge [sflag:s14], $0x10800  }
0x10: {  	[sflag:s14] =	ssyncset.done $0x0  }
0x11: {  	s17 =	simm.s32 $0x10800;
	[sflag:s14] =	ssyncadd.s32 $0xFFFEF800  }
0x12: {  	[tilespmem:s17], [sflag:$0x1] =	stream.linear.gather [hbm4b:s4+s2], $0x400, $0x38;
	[tilespmem:$0x1A000] =	vst v63  }
0x13: {  	_ =	swait.ge [sflag:s14], $0x400  }
0x14: {  	[sflag:s14] =	ssyncset.done $0x0  }
0x15: {  	s18 =	simm.s32 $0x10C00;
	[sflag:s14] =	ssyncadd.s32 $0xFFFFFC00  }
0x16: {  	[tilespmem:s18], [sflag:$0x1] =	stream.linear.gather [hbm4b:s5+s2], $0x400, $0x38;
	[tilespmem:$0x1A000] =	vst v63  }
0x17: {  	_ =	swait.ge [sflag:s14], $0x400  }
0x18: {  	[sflag:s14] =	ssyncset.done $0x0  }
0x19: {  	s19 =	simm.s32 $0x11000;
	[sflag:s14] =	ssyncadd.s32 $0xFFFFFC00  }
0x1a: {  	[tilespmem:s19], [sflag:$0x1] =	stream.linear.gather [hbm4b:s6+s2], $0x400, $0x38;
	[tilespmem:$0x1A000] =	vst v63  }
0x1b: {  	_ =	swait.ge [sflag:s14], $0x400  }
0x1c: {  	[sflag:s14] =	ssyncset.done $0x0  }
0x1d: {  	s20 =	simm.s32 $0x11400;
	[sflag:s14] =	ssyncadd.s32 $0xFFFFFC00  }
0x1e: {  	[tilespmem:s20], [sflag:$0x1] =	stream.linear.gather [hbm4b:s7+s2], $0x400, $0x38;
	[tilespmem:$0x1A000] =	vst v63  }
0x1f: {  	_ =	swait.ge [sflag:s14], $0x400  }
0x20: {  	[sflag:s14] =	ssyncset.done $0x0  }
0x21: {  	s21 =	simm.s32 $0x11800;
	[sflag:s14] =	ssyncadd.s32 $0xFFFFFC00  }
0x22: {  	[tilespmem:s21], [sflag:$0x1] =	stream.linear.gather [hbm4b:s8+s2], $0x400, $0x38;
	[tilespmem:$0x1A000] =	vst v63  }
0x23: {  	_ =	swait.ge [sflag:s14], $0x400  }
0x24: {  	[sflag:s14] =	ssyncset.done $0x0  }
0x25: {  	s22 =	simm.s32 $0x11C00;
	[sflag:s14] =	ssyncadd.s32 $0xFFFFFC00  }
0x26: {  	[tilespmem:s22], [sflag:$0x1] =	stream.linear.gather [hbm4b:s9+s2], $0x400, $0x38;
	[tilespmem:$0x1A000] =	vst v63  }
0x27: {  	_ =	swait.ge [sflag:s14], $0x400  }
0x28: {  	[sflag:s14] =	ssyncset.done $0x0  }
0x29: {  	s23 =	simm.s32 $0x12000;
	s24 =	simm.s32 $0x0;
	[sflag:s14] =	ssyncadd.s32 $0xFFFFFC00  }
.LBB2_2:
0x2a: {  	v0 =	vld [tilespmem:s17+$0x0]  }
0x2b: {  	v1 =	vld [tilespmem:s18+$0x0];
	_ =	sdelay $0x1  }
0x2c: {  	v2 =	vld [tilespmem:s19+$0x0];
	_ =	sdelay $0x1  }
0x2d: {  	v4 =	vmul.u32 $0x21, v0  }
0x2e: {  	v5 =	vmul.u32 $0x21, v1;
	_ =	sdelay $0x1  }
0x2f: {  	v3 =	vmul.u32 $0x21, v2  }
0x30: {  	v0 =	vld [tilespmem:s20+$0x0]  }
0x31: {  	v1 =	vld [tilespmem:s21+$0x0]  }
0x32: {  	v6 =	vld.idx.msk [tilespmem:v4+s2+$0x0], $0xffff  }
0x33: {  	v7 =	vld.idx.msk [tilespmem:v5+s2+$0x0], $0xffff  }
0x34: {  	v2 =	vld [tilespmem:s22+$0x0]  }
0x35: {  	v8 =	vld.idx.msk [tilespmem:v3+s2+$0x0], $0xffff;
	_ =	sdelay $0x2  }
0x36: {  	v6 =	vmul.f32 v6, v0;
	v7 =	vmul.f32 v7, v1;
	_ =	sdelay $0x1  }
0x37: {  	v48 =	vadd.s32 $0x1, v4;
	v47 =	vmul.f32 v8, v2;
	v6 =	vadd.f32 v7, v6  }
0x38: {  	v9 =	vadd.s32 $0x1, v5  }
0x39: {  	v6 =	vadd.f32 v47, v6  }
0x3a: {  	v49 =	vadd.s32 $0x1, v3  }
0x3b: {  	[tilespmem:s23+$0x0] =	vst v6  }
0x3c: {  	v6 =	vld.idx.msk [tilespmem:v48+s2+$0x0], $0xffff  }
0x3d: {  	v50 =	vld.idx.msk [tilespmem:v9+s2+$0x0], $0xffff;
	_ =	sdelay $0x1  }
0x3e: {  	v7 =	vld.idx.msk [tilespmem:v49+s2+$0x0], $0xffff;
	_ =	sdelay $0x2  }
0x3f: {  	v6 =	vmul.f32 v6, v0;
	v8 =	vmul.f32 v50, v1;
	_ =	sdelay $0x1  }
0x40: {  	v51 =	vadd.s32 $0x2, v4;
	v7 =	vmul.f32 v7, v2;
	v6 =	vadd.f32 v8, v6  }
0x41: {  	v52 =	vadd.s32 $0x2, v5  }
0x42: {  	v6 =	vadd.f32 v7, v6  }
0x43: {  	s25 =	sand.u32 $0x3F0, s24;
	v53 =	vadd.s32 $0x2, v3  }
0x44: {  	[tilespmem:s25+$0x12400] =	vst v6  }
0x45: {  	v6 =	vld.idx.msk [tilespmem:v51+s2+$0x0], $0xffff  }
0x46: {  	v54 =	vld.idx.msk [tilespmem:v52+s2+$0x0], $0xffff;
	_ =	sdelay $0x1  }
0x47: {  	v7 =	vld.idx.msk [tilespmem:v53+s2+$0x0], $0xffff;
	_ =	sdelay $0x2  }
0x48: {  	v6 =	vmul.f32 v6, v0;
	v8 =	vmul.f32 v54, v1;
	_ =	sdelay $0x1  }
0x49: {  	v55 =	vadd.s32 $0x3, v4;
	v7 =	vmul.f32 v7, v2;
	v6 =	vadd.f32 v8, v6  }
0x4a: {  	v56 =	vadd.s32 $0x3, v5  }
0x4b: {  	v6 =	vadd.f32 v7, v6  }
0x4c: {  	v57 =	vadd.s32 $0x3, v3  }
0x4d: {  	[tilespmem:s25+$0x12800] =	vst v6  }
0x4e: {  	v6 =	vld.idx.msk [tilespmem:v55+s2+$0x0], $0xffff  }
0x4f: {  	v58 =	vld.idx.msk [tilespmem:v56+s2+$0x0], $0xffff;
	_ =	sdelay $0x1  }
0x50: {  	v7 =	vld.idx.msk [tilespmem:v57+s2+$0x0], $0xffff;
	_ =	sdelay $0x2  }
0x51: {  	v6 =	vmul.f32 v6, v0;
	v8 =	vmul.f32 v58, v1;
	_ =	sdelay $0x1  }
0x52: {  	v59 =	vadd.s32 $0x4, v4;
	v7 =	vmul.f32 v7, v2;
	v6 =	vadd.f32 v8, v6  }
0x53: {  	v60 =	vadd.s32 $0x4, v5  }
0x54: {  	v6 =	vadd.f32 v7, v6  }
0x55: {  	v61 =	vadd.s32 $0x4, v3  }
0x56: {  	[tilespmem:s25+$0x12C00] =	vst v6  }
0x57: {  	v6 =	vld.idx.msk [tilespmem:v59+s2+$0x0], $0xffff  }
0x58: {  	v62 =	vld.idx.msk [tilespmem:v60+s2+$0x0], $0xffff;
	_ =	sdelay $0x1  }
0x59: {  	v7 =	vld.idx.msk [tilespmem:v61+s2+$0x0], $0xffff;
	_ =	sdelay $0x2  }
0x5a: {  	v6 =	vmul.f32 v6, v0;
	v8 =	vmul.f32 v62, v1;
	_ =	sdelay $0x1  }
0x5b: {  	v63 =	vadd.s32 $0x5, v4;
	v7 =	vmul.f32 v7, v2;
	v6 =	vadd.f32 v8, v6  }
0x5c: {  	v12 =	vadd.s32 $0x5, v5  }
0x5d: {  	v6 =	vadd.f32 v7, v6  }
0x5e: {  	v13 =	vadd.s32 $0x5, v3  }
0x5f: {  	[tilespmem:s25+$0x13000] =	vst v6  }
0x60: {  	v6 =	vld.idx.msk [tilespmem:v63+s2+$0x0], $0xffff  }
0x61: {  	v14 =	vld.idx.msk [tilespmem:v12+s2+$0x0], $0xffff;
	_ =	sdelay $0x1  }
0x62: {  	v7 =	vld.idx.msk [tilespmem:v13+s2+$0x0], $0xffff;
	_ =	sdelay $0x2  }
0x63: {  	v6 =	vmul.f32 v6, v0;
	v8 =	vmul.f32 v14, v1;
	_ =	sdelay $0x1  }
0x64: {  	v15 =	vadd.s32 $0x6, v4;
	v7 =	vmul.f32 v7, v2;
	v6 =	vadd.f32 v8, v6  }
0x65: {  	v16 =	vadd.s32 $0x6, v5  }
0x66: {  	v6 =	vadd.f32 v7, v6  }
0x67: {  	v17 =	vadd.s32 $0x6, v3  }
0x68: {  	[tilespmem:s25+$0x13400] =	vst v6  }
0x69: {  	v6 =	vld.idx.msk [tilespmem:v15+s2+$0x0], $0xffff  }
0x6a: {  	v18 =	vld.idx.msk [tilespmem:v16+s2+$0x0], $0xffff;
	_ =	sdelay $0x1  }
0x6b: {  	v7 =	vld.idx.msk [tilespmem:v17+s2+$0x0], $0xffff;
	_ =	sdelay $0x2  }
0x6c: {  	v6 =	vmul.f32 v6, v0;
	v8 =	vmul.f32 v18, v1;
	_ =	sdelay $0x1  }
0x6d: {  	v19 =	vadd.s32 $0x7, v4;
	v7 =	vmul.f32 v7, v2;
	v6 =	vadd.f32 v8, v6  }
0x6e: {  	v20 =	vadd.s32 $0x7, v5  }
0x6f: {  	v6 =	vadd.f32 v7, v6  }
0x70: {  	v21 =	vadd.s32 $0x7, v3  }
0x71: {  	[tilespmem:s25+$0x13800] =	vst v6  }
0x72: {  	v6 =	vld.idx.msk [tilespmem:v19+s2+$0x0], $0xffff  }
0x73: {  	v22 =	vld.idx.msk [tilespmem:v20+s2+$0x0], $0xffff;
	_ =	sdelay $0x1  }
0x74: {  	v7 =	vld.idx.msk [tilespmem:v21+s2+$0x0], $0xffff;
	_ =	sdelay $0x2  }
0x75: {  	v6 =	vmul.f32 v6, v0;
	v8 =	vmul.f32 v22, v1;
	_ =	sdelay $0x1  }
0x76: {  	v23 =	vadd.s32 $0x8, v4;
	v7 =	vmul.f32 v7, v2;
	v6 =	vadd.f32 v8, v6  }
0x77: {  	v24 =	vadd.s32 $0x8, v5  }
0x78: {  	v6 =	vadd.f32 v7, v6  }
0x79: {  	v25 =	vadd.s32 $0x8, v3  }
0x7a: {  	[tilespmem:s25+$0x13C00] =	vst v6  }
0x7b: {  	v6 =	vld.idx.msk [tilespmem:v23+s2+$0x0], $0xffff  }
0x7c: {  	v26 =	vld.idx.msk [tilespmem:v24+s2+$0x0], $0xffff;
	_ =	sdelay $0x1  }
0x7d: {  	v7 =	vld.idx.msk [tilespmem:v25+s2+$0x0], $0xffff;
	_ =	sdelay $0x2  }
0x7e: {  	v6 =	vmul.f32 v6, v0;
	v8 =	vmul.f32 v26, v1;
	_ =	sdelay $0x1  }
0x7f: {  	v27 =	vadd.s32 $0x9, v4;
	v7 =	vmul.f32 v7, v2;
	v6 =	vadd.f32 v8, v6  }
0x80: {  	v28 =	vadd.s32 $0x9, v5  }
0x81: {  	v6 =	vadd.f32 v7, v6  }
0x82: {  	v29 =	vadd.s32 $0x9, v3  }
0x83: {  	[tilespmem:s25+$0x14000] =	vst v6  }
0x84: {  	v6 =	vld.idx.msk [tilespmem:v27+s2+$0x0], $0xffff  }
0x85: {  	v30 =	vld.idx.msk [tilespmem:v28+s2+$0x0], $0xffff;
	_ =	sdelay $0x1  }
0x86: {  	v7 =	vld.idx.msk [tilespmem:v29+s2+$0x0], $0xffff;
	_ =	sdelay $0x2  }
0x87: {  	v6 =	vmul.f32 v6, v0;
	v8 =	vmul.f32 v30, v1;
	_ =	sdelay $0x1  }
0x88: {  	v31 =	vadd.s32 $0xA, v4;
	v7 =	vmul.f32 v7, v2;
	v6 =	vadd.f32 v8, v6  }
0x89: {  	v32 =	vadd.s32 $0xA, v5  }
0x8a: {  	v6 =	vadd.f32 v7, v6  }
0x8b: {  	v33 =	vadd.s32 $0xA, v3  }
0x8c: {  	[tilespmem:s25+$0x14400] =	vst v6  }
0x8d: {  	v6 =	vld.idx.msk [tilespmem:v31+s2+$0x0], $0xffff  }
0x8e: {  	v34 =	vld.idx.msk [tilespmem:v32+s2+$0x0], $0xffff;
	_ =	sdelay $0x1  }
0x8f: {  	v7 =	vld.idx.msk [tilespmem:v33+s2+$0x0], $0xffff;
	_ =	sdelay $0x2  }
0x90: {  	v6 =	vmul.f32 v6, v0;
	v8 =	vmul.f32 v34, v1;
	_ =	sdelay $0x1  }
0x91: {  	v35 =	vadd.s32 $0xB, v4;
	v7 =	vmul.f32 v7, v2;
	v6 =	vadd.f32 v8, v6  }
0x92: {  	v36 =	vadd.s32 $0xB, v5  }
0x93: {  	v6 =	vadd.f32 v7, v6  }
0x94: {  	v37 =	vadd.s32 $0xB, v3  }
0x95: {  	[tilespmem:s25+$0x14800] =	vst v6  }
0x96: {  	v6 =	vld.idx.msk [tilespmem:v35+s2+$0x0], $0xffff  }
0x97: {  	v38 =	vld.idx.msk [tilespmem:v36+s2+$0x0], $0xffff;
	_ =	sdelay $0x1  }
0x98: {  	v7 =	vld.idx.msk [tilespmem:v37+s2+$0x0], $0xffff;
	_ =	sdelay $0x2  }
0x99: {  	v6 =	vmul.f32 v6, v0;
	v8 =	vmul.f32 v38, v1;
	_ =	sdelay $0x1  }
0x9a: {  	v39 =	vadd.s32 $0xC, v4;
	v7 =	vmul.f32 v7, v2;
	v6 =	vadd.f32 v8, v6  }
0x9b: {  	v40 =	vadd.s32 $0xC, v5  }
0x9c: {  	v6 =	vadd.f32 v7, v6  }
0x9d: {  	v41 =	vadd.s32 $0xC, v3  }
0x9e: {  	[tilespmem:s25+$0x14C00] =	vst v6  }
0x9f: {  	v6 =	vld.idx.msk [tilespmem:v39+s2+$0x0], $0xffff  }
0xa0: {  	v42 =	vld.idx.msk [tilespmem:v40+s2+$0x0], $0xffff;
	_ =	sdelay $0x1  }
0xa1: {  	v7 =	vld.idx.msk [tilespmem:v41+s2+$0x0], $0xffff;
	_ =	sdelay $0x2  }
0xa2: {  	v6 =	vmul.f32 v6, v0;
	v8 =	vmul.f32 v42, v1;
	_ =	sdelay $0x1  }
0xa3: {  	v43 =	vadd.s32 $0xD, v4;
	v7 =	vmul.f32 v7, v2;
	v6 =	vadd.f32 v8, v6  }
0xa4: {  	v44 =	vadd.s32 $0xD, v5  }
0xa5: {  	v6 =	vadd.f32 v7, v6  }
0xa6: {  	v45 =	vadd.s32 $0xD, v3  }
0xa7: {  	[tilespmem:s25+$0x15000] =	vst v6  }
0xa8: {  	v6 =	vld.idx.msk [tilespmem:v43+s2+$0x0], $0xffff  }
0xa9: {  	v46 =	vld.idx.msk [tilespmem:v44+s2+$0x0], $0xffff;
	_ =	sdelay $0x1  }
0xaa: {  	v7 =	vld.idx.msk [tilespmem:v45+s2+$0x0], $0xffff;
	_ =	sdelay $0x2  }
0xab: {  	v6 =	vmul.f32 v6, v0;
	v8 =	vmul.f32 v46, v1;
	_ =	sdelay $0x1  }
0xac: {  	v47 =	vadd.s32 $0xE, v4;
	v7 =	vmul.f32 v7, v2;
	v6 =	vadd.f32 v8, v6  }
0xad: {  	v48 =	vadd.s32 $0xE, v5  }
0xae: {  	v6 =	vadd.f32 v7, v6  }
0xaf: {  	v49 =	vadd.s32 $0xE, v3  }
0xb0: {  	[tilespmem:s25+$0x15400] =	vst v6  }
0xb1: {  	v6 =	vld.idx.msk [tilespmem:v47+s2+$0x0], $0xffff  }
0xb2: {  	v50 =	vld.idx.msk [tilespmem:v48+s2+$0x0], $0xffff;
	_ =	sdelay $0x1  }
0xb3: {  	v7 =	vld.idx.msk [tilespmem:v49+s2+$0x0], $0xffff;
	_ =	sdelay $0x2  }
0xb4: {  	v6 =	vmul.f32 v6, v0;
	v8 =	vmul.f32 v50, v1;
	_ =	sdelay $0x1  }
0xb5: {  	v51 =	vadd.s32 $0xF, v4;
	v7 =	vmul.f32 v7, v2;
	v6 =	vadd.f32 v8, v6  }
0xb6: {  	v52 =	vadd.s32 $0xF, v5  }
0xb7: {  	v6 =	vadd.f32 v7, v6  }
0xb8: {  	v53 =	vadd.s32 $0xF, v3  }
0xb9: {  	[tilespmem:s25+$0x15800] =	vst v6  }
0xba: {  	v6 =	vld.idx.msk [tilespmem:v51+s2+$0x0], $0xffff  }
0xbb: {  	v54 =	vld.idx.msk [tilespmem:v52+s2+$0x0], $0xffff;
	_ =	sdelay $0x1  }
0xbc: {  	v7 =	vld.idx.msk [tilespmem:v53+s2+$0x0], $0xffff;
	_ =	sdelay $0x2  }
0xbd: {  	v6 =	vmul.f32 v6, v0;
	v8 =	vmul.f32 v54, v1;
	_ =	sdelay $0x1  }
0xbe: {  	v55 =	vadd.s32 $0x10, v4;
	v7 =	vmul.f32 v7, v2;
	v6 =	vadd.f32 v8, v6  }
0xbf: {  	v56 =	vadd.s32 $0x10, v5  }
0xc0: {  	v6 =	vadd.f32 v7, v6  }
0xc1: {  	v57 =	vadd.s32 $0x10, v3  }
0xc2: {  	[tilespmem:s25+$0x15C00] =	vst v6  }
0xc3: {  	v6 =	vld.idx.msk [tilespmem:v55+s2+$0x0], $0xffff  }
0xc4: {  	v58 =	vld.idx.msk [tilespmem:v56+s2+$0x0], $0xffff;
	_ =	sdelay $0x1  }
0xc5: {  	v7 =	vld.idx.msk [tilespmem:v57+s2+$0x0], $0xffff;
	_ =	sdelay $0x2  }
0xc6: {  	v6 =	vmul.f32 v6, v0;
	v8 =	vmul.f32 v58, v1;
	_ =	sdelay $0x1  }
0xc7: {  	v59 =	vadd.s32 $0x11, v4;
	v7 =	vmul.f32 v7, v2;
	v6 =	vadd.f32 v8, v6  }
0xc8: {  	v60 =	vadd.s32 $0x11, v5  }
0xc9: {  	v6 =	vadd.f32 v7, v6  }
0xca: {  	v61 =	vadd.s32 $0x11, v3  }
0xcb: {  	[tilespmem:s25+$0x16000] =	vst v6  }
0xcc: {  	v6 =	vld.idx.msk [tilespmem:v59+s2+$0x0], $0xffff  }
0xcd: {  	v62 =	vld.idx.msk [tilespmem:v60+s2+$0x0], $0xffff;
	_ =	sdelay $0x1  }
0xce: {  	v7 =	vld.idx.msk [tilespmem:v61+s2+$0x0], $0xffff;
	_ =	sdelay $0x2  }
0xcf: {  	v6 =	vmul.f32 v6, v0;
	v8 =	vmul.f32 v62, v1;
	_ =	sdelay $0x1  }
0xd0: {  	v63 =	vadd.s32 $0x12, v4;
	v7 =	vmul.f32 v7, v2;
	v6 =	vadd.f32 v8, v6  }
0xd1: {  	v12 =	vadd.s32 $0x12, v5  }
0xd2: {  	v6 =	vadd.f32 v7, v6  }
0xd3: {  	v13 =	vadd.s32 $0x12, v3  }
0xd4: {  	[tilespmem:s25+$0x16400] =	vst v6  }
0xd5: {  	v6 =	vld.idx.msk [tilespmem:v63+s2+$0x0], $0xffff  }
0xd6: {  	v14 =	vld.idx.msk [tilespmem:v12+s2+$0x0], $0xffff;
	_ =	sdelay $0x1  }
0xd7: {  	v7 =	vld.idx.msk [tilespmem:v13+s2+$0x0], $0xffff;
	_ =	sdelay $0x2  }
0xd8: {  	v6 =	vmul.f32 v6, v0;
	v8 =	vmul.f32 v14, v1;
	_ =	sdelay $0x1  }
0xd9: {  	v15 =	vadd.s32 $0x13, v4;
	v7 =	vmul.f32 v7, v2;
	v6 =	vadd.f32 v8, v6  }
0xda: {  	v16 =	vadd.s32 $0x13, v5  }
0xdb: {  	v6 =	vadd.f32 v7, v6  }
0xdc: {  	v17 =	vadd.s32 $0x13, v3  }
0xdd: {  	[tilespmem:s25+$0x16800] =	vst v6  }
0xde: {  	v6 =	vld.idx.msk [tilespmem:v15+s2+$0x0], $0xffff  }
0xdf: {  	v18 =	vld.idx.msk [tilespmem:v16+s2+$0x0], $0xffff;
	_ =	sdelay $0x1  }
0xe0: {  	v7 =	vld.idx.msk [tilespmem:v17+s2+$0x0], $0xffff;
	_ =	sdelay $0x2  }
0xe1: {  	v6 =	vmul.f32 v6, v0;
	v8 =	vmul.f32 v18, v1;
	_ =	sdelay $0x1  }
0xe2: {  	v19 =	vadd.s32 $0x14, v4;
	v7 =	vmul.f32 v7, v2;
	v6 =	vadd.f32 v8, v6  }
0xe3: {  	v20 =	vadd.s32 $0x14, v5  }
0xe4: {  	v6 =	vadd.f32 v7, v6  }
0xe5: {  	v21 =	vadd.s32 $0x14, v3  }
0xe6: {  	[tilespmem:s25+$0x16C00] =	vst v6  }
0xe7: {  	v6 =	vld.idx.msk [tilespmem:v19+s2+$0x0], $0xffff  }
0xe8: {  	v22 =	vld.idx.msk [tilespmem:v20+s2+$0x0], $0xffff;
	_ =	sdelay $0x1  }
0xe9: {  	v7 =	vld.idx.msk [tilespmem:v21+s2+$0x0], $0xffff;
	_ =	sdelay $0x2  }
0xea: {  	v6 =	vmul.f32 v6, v0;
	v8 =	vmul.f32 v22, v1;
	_ =	sdelay $0x1  }
0xeb: {  	v23 =	vadd.s32 $0x15, v4;
	v7 =	vmul.f32 v7, v2;
	v6 =	vadd.f32 v8, v6  }
0xec: {  	v24 =	vadd.s32 $0x15, v5  }
0xed: {  	v6 =	vadd.f32 v7, v6  }
0xee: {  	v25 =	vadd.s32 $0x15, v3  }
0xef: {  	[tilespmem:s25+$0x17000] =	vst v6  }
0xf0: {  	v6 =	vld.idx.msk [tilespmem:v23+s2+$0x0], $0xffff  }
0xf1: {  	v26 =	vld.idx.msk [tilespmem:v24+s2+$0x0], $0xffff;
	_ =	sdelay $0x1  }
0xf2: {  	v7 =	vld.idx.msk [tilespmem:v25+s2+$0x0], $0xffff;
	_ =	sdelay $0x2  }
0xf3: {  	v6 =	vmul.f32 v6, v0;
	v8 =	vmul.f32 v26, v1;
	_ =	sdelay $0x1  }
0xf4: {  	v27 =	vadd.s32 $0x16, v4;
	v7 =	vmul.f32 v7, v2;
	v6 =	vadd.f32 v8, v6  }
0xf5: {  	v28 =	vadd.s32 $0x16, v5  }
0xf6: {  	v6 =	vadd.f32 v7, v6  }
0xf7: {  	v29 =	vadd.s32 $0x16, v3  }
0xf8: {  	[tilespmem:s25+$0x17400] =	vst v6  }
0xf9: {  	v6 =	vld.idx.msk [tilespmem:v27+s2+$0x0], $0xffff  }
0xfa: {  	v30 =	vld.idx.msk [tilespmem:v28+s2+$0x0], $0xffff;
	_ =	sdelay $0x1  }
0xfb: {  	v7 =	vld.idx.msk [tilespmem:v29+s2+$0x0], $0xffff;
	_ =	sdelay $0x2  }
0xfc: {  	v6 =	vmul.f32 v6, v0;
	v8 =	vmul.f32 v30, v1;
	_ =	sdelay $0x1  }
0xfd: {  	v31 =	vadd.s32 $0x17, v4;
	v7 =	vmul.f32 v7, v2;
	v6 =	vadd.f32 v8, v6  }
0xfe: {  	v32 =	vadd.s32 $0x17, v5  }
0xff: {  	v6 =	vadd.f32 v7, v6  }
0x100: {  	v33 =	vadd.s32 $0x17, v3  }
0x101: {  	[tilespmem:s25+$0x17800] =	vst v6  }
0x102: {  	v6 =	vld.idx.msk [tilespmem:v31+s2+$0x0], $0xffff  }
0x103: {  	v34 =	vld.idx.msk [tilespmem:v32+s2+$0x0], $0xffff;
	_ =	sdelay $0x1  }
0x104: {  	v7 =	vld.idx.msk [tilespmem:v33+s2+$0x0], $0xffff;
	_ =	sdelay $0x2  }
0x105: {  	v6 =	vmul.f32 v6, v0;
	v8 =	vmul.f32 v34, v1;
	_ =	sdelay $0x1  }
0x106: {  	v35 =	vadd.s32 $0x18, v4;
	v7 =	vmul.f32 v7, v2;
	v6 =	vadd.f32 v8, v6  }
0x107: {  	v36 =	vadd.s32 $0x18, v5  }
0x108: {  	v6 =	vadd.f32 v7, v6  }
0x109: {  	v37 =	vadd.s32 $0x18, v3  }
0x10a: {  	[tilespmem:s25+$0x17C00] =	vst v6  }
0x10b: {  	v6 =	vld.idx.msk [tilespmem:v35+s2+$0x0], $0xffff  }
0x10c: {  	v38 =	vld.idx.msk [tilespmem:v36+s2+$0x0], $0xffff;
	_ =	sdelay $0x1  }
0x10d: {  	v7 =	vld.idx.msk [tilespmem:v37+s2+$0x0], $0xffff;
	_ =	sdelay $0x2  }
0x10e: {  	v6 =	vmul.f32 v6, v0;
	v8 =	vmul.f32 v38, v1;
	_ =	sdelay $0x1  }
0x10f: {  	v39 =	vadd.s32 $0x19, v4;
	v7 =	vmul.f32 v7, v2;
	v6 =	vadd.f32 v8, v6  }
0x110: {  	v40 =	vadd.s32 $0x19, v5  }
0x111: {  	v6 =	vadd.f32 v7, v6  }
0x112: {  	v41 =	vadd.s32 $0x19, v3  }
0x113: {  	[tilespmem:s25+$0x18000] =	vst v6  }
0x114: {  	v6 =	vld.idx.msk [tilespmem:v39+s2+$0x0], $0xffff  }
0x115: {  	v42 =	vld.idx.msk [tilespmem:v40+s2+$0x0], $0xffff;
	_ =	sdelay $0x1  }
0x116: {  	v7 =	vld.idx.msk [tilespmem:v41+s2+$0x0], $0xffff;
	_ =	sdelay $0x2  }
0x117: {  	v6 =	vmul.f32 v6, v0;
	v8 =	vmul.f32 v42, v1;
	_ =	sdelay $0x1  }
0x118: {  	v43 =	vadd.s32 $0x1A, v4;
	v7 =	vmul.f32 v7, v2;
	v6 =	vadd.f32 v8, v6  }
0x119: {  	v44 =	vadd.s32 $0x1A, v5  }
0x11a: {  	v6 =	vadd.f32 v7, v6  }
0x11b: {  	v45 =	vadd.s32 $0x1A, v3  }
0x11c: {  	[tilespmem:s25+$0x18400] =	vst v6  }
0x11d: {  	v6 =	vld.idx.msk [tilespmem:v43+s2+$0x0], $0xffff  }
0x11e: {  	v46 =	vld.idx.msk [tilespmem:v44+s2+$0x0], $0xffff;
	_ =	sdelay $0x1  }
0x11f: {  	v7 =	vld.idx.msk [tilespmem:v45+s2+$0x0], $0xffff;
	_ =	sdelay $0x2  }
0x120: {  	v6 =	vmul.f32 v6, v0;
	v8 =	vmul.f32 v46, v1;
	_ =	sdelay $0x1  }
0x121: {  	v47 =	vadd.s32 $0x1B, v4;
	v7 =	vmul.f32 v7, v2;
	v6 =	vadd.f32 v8, v6  }
0x122: {  	v48 =	vadd.s32 $0x1B, v5  }
0x123: {  	v6 =	vadd.f32 v7, v6  }
0x124: {  	v49 =	vadd.s32 $0x1B, v3  }
0x125: {  	[tilespmem:s25+$0x18800] =	vst v6  }
0x126: {  	v6 =	vld.idx.msk [tilespmem:v47+s2+$0x0], $0xffff  }
0x127: {  	v50 =	vld.idx.msk [tilespmem:v48+s2+$0x0], $0xffff;
	_ =	sdelay $0x1  }
0x128: {  	v7 =	vld.idx.msk [tilespmem:v49+s2+$0x0], $0xffff;
	_ =	sdelay $0x2  }
0x129: {  	v6 =	vmul.f32 v6, v0;
	v8 =	vmul.f32 v50, v1;
	_ =	sdelay $0x1  }
0x12a: {  	v51 =	vadd.s32 $0x1C, v4;
	v7 =	vmul.f32 v7, v2;
	v6 =	vadd.f32 v8, v6  }
0x12b: {  	v52 =	vadd.s32 $0x1C, v5  }
0x12c: {  	v6 =	vadd.f32 v7, v6  }
0x12d: {  	v53 =	vadd.s32 $0x1C, v3  }
0x12e: {  	[tilespmem:s25+$0x18C00] =	vst v6  }
0x12f: {  	v6 =	vld.idx.msk [tilespmem:v51+s2+$0x0], $0xffff  }
0x130: {  	v54 =	vld.idx.msk [tilespmem:v52+s2+$0x0], $0xffff;
	_ =	sdelay $0x1  }
0x131: {  	v7 =	vld.idx.msk [tilespmem:v53+s2+$0x0], $0xffff;
	_ =	sdelay $0x2  }
0x132: {  	v6 =	vmul.f32 v6, v0;
	v8 =	vmul.f32 v54, v1;
	_ =	sdelay $0x1  }
0x133: {  	v55 =	vadd.s32 $0x1D, v4;
	v7 =	vmul.f32 v7, v2;
	v6 =	vadd.f32 v8, v6  }
0x134: {  	v56 =	vadd.s32 $0x1D, v5  }
0x135: {  	v6 =	vadd.f32 v7, v6  }
0x136: {  	v57 =	vadd.s32 $0x1D, v3  }
0x137: {  	[tilespmem:s25+$0x19000] =	vst v6  }
0x138: {  	v6 =	vld.idx.msk [tilespmem:v55+s2+$0x0], $0xffff  }
0x139: {  	v58 =	vld.idx.msk [tilespmem:v56+s2+$0x0], $0xffff;
	_ =	sdelay $0x1  }
0x13a: {  	v7 =	vld.idx.msk [tilespmem:v57+s2+$0x0], $0xffff;
	_ =	sdelay $0x2  }
0x13b: {  	v6 =	vmul.f32 v6, v0;
	v8 =	vmul.f32 v58, v1;
	_ =	sdelay $0x1  }
0x13c: {  	v59 =	vadd.s32 $0x1E, v4;
	v7 =	vmul.f32 v7, v2;
	v6 =	vadd.f32 v8, v6  }
0x13d: {  	v60 =	vadd.s32 $0x1E, v5  }
0x13e: {  	v6 =	vadd.f32 v7, v6  }
0x13f: {  	v61 =	vadd.s32 $0x1E, v3  }
0x140: {  	[tilespmem:s25+$0x19400] =	vst v6  }
0x141: {  	v6 =	vld.idx.msk [tilespmem:v59+s2+$0x0], $0xffff  }
0x142: {  	v62 =	vld.idx.msk [tilespmem:v60+s2+$0x0], $0xffff;
	_ =	sdelay $0x1  }
0x143: {  	v7 =	vld.idx.msk [tilespmem:v61+s2+$0x0], $0xffff;
	_ =	sdelay $0x2  }
0x144: {  	v6 =	vmul.f32 v6, v0;
	v8 =	vmul.f32 v62, v1;
	_ =	sdelay $0x1  }
0x145: {  	v4 =	vadd.s32 $0x1F, v4;
	v7 =	vmul.f32 v7, v2;
	v6 =	vadd.f32 v8, v6  }
0x146: {  	v5 =	vadd.s32 $0x1F, v5  }
0x147: {  	v6 =	vadd.f32 v7, v6  }
0x148: {  	v3 =	vadd.s32 $0x1F, v3  }
0x149: {  	[tilespmem:s25+$0x19800] =	vst v6  }
0x14a: {  	v4 =	vld.idx.msk [tilespmem:v4+s2+$0x0], $0xffff  }
0x14b: {  	v5 =	vld.idx.msk [tilespmem:v5+s2+$0x0], $0xffff;
	_ =	sdelay $0x1  }
0x14c: {  	v3 =	vld.idx.msk [tilespmem:v3+s2+$0x0], $0xffff;
	_ =	sdelay $0x2  }
0x14d: {  	v0 =	vmul.f32 v4, v0;
	v1 =	vmul.f32 v5, v1  }
0x14e: {  	p0 =	sne.s32 s24, $0x3F0  }
.Ltmp0:
0x14f: {  	v63 =	vmul.f32 v3, v2;
	v0 =	vadd.f32 v1, v0;
	(pc) =	sbr.rel @p0 .LBB2_2-.Ltmp0, $4  }
0x150: {  	_ = 	snop  }
0x151: {  	s17 =	sadd.s32 $0x10, s17;
	s18 =	sadd.s32 $0x10, s18;
	v0 =	vadd.f32 v63, v0  }
0x152: {  	s19 =	sadd.s32 $0x10, s19;
	s24 =	sadd.s32 $0x10, s24;
	s20 =	sadd.s32 $0x10, s20  }
0x153: {  	s21 =	sadd.s32 $0x10, s21;
	s22 =	sadd.s32 $0x10, s22;
	s23 =	sadd.s32 $0x10, s23;
	[tilespmem:s25+$0x19C00] =	vst v0  }
0x154: {  	s16 =	sadd.s32 $0x1, s16  }
0x155: {  	p0 =	sne.s32 s16, s11  }
.Ltmp1:
0x156: {  	_ = 	snop;
	(pc) =	sbr.rel @p0 .LBB2_1-.Ltmp1, $4  }
0x157: {  	[hbm4b:s10+s2] =	stream.linear.scatter [tilespmem:s15], [sflag:$0x1], $0x8000, $0x38;
	[tilespmem:$0x1A000] =	vst v63  }
0x158: {  	_ =	swait.ge [sflag:s14], $0x8000  }
0x159: {  	[sflag:s14] =	ssyncset.done $0x0  }
0x15a: {  	[sflag:s14] =	ssyncadd.s32 $0xFFFF8000  }
0x15b: {  	_ =	sfence.sel $0x180000  }
0x15c: {  	[bflag:$0x0] =	sbarrier.arrive $0xFFFF  }
0x15d: {  	p0 =	sne.s32 s1, $0x0;
	_ =	strace $0x90000047  }
0x15e: {  	s0 =	sadd.s32 @!p0 $0x100000, s0;
	[bflag:$0x2] =	sbarrier.arrive $0xFFFF  }
0x15f: {  	[sflag:s0] =	ssyncadd.tile.s32 @!p0 $0x1;
	_ =	shalt  }
.Lfunc_end2:
_tile_overlayer_lowered:
.L_overlay_start_2:
0x160: {  	(tag) =	ssettag $0x2  }
0x161: {  	s0 =	rddreg [dreg:$0x0];
	s2 =	stileid.u32  }
0x162: {  	s1 =	rddreg [dreg:$0x1];
	p0 =	sne.s32 s2, $0x0  }
0x163: {  	s3 =	rddreg [dreg:$0x2];
	[bflag:$0x3] =	sbarrier.arrive $0xFFFF;
	s2 =	simm.s32 @!p0 $0x1C01  }
0x164: {  	[timem:s3], [sflag:s2] =	dma.local @!p0 [hbm:s0], s1  }
0x165: {  	s0 =	simm.s32 @!p0 $0x1  }
0x166: {  	_ =	swait.ge @!p0 [sflag:s0], s1  }
0x167: {  	s1 =	ssub.s32 @!p0 $0x0, s1;
	[sflag:s0] =	ssyncset.done @!p0 $0x0  }
0x168: {  	[sflag:s0] =	ssyncadd.s32 @!p0 s1  }
0x169: {  	[bflag:$0x3] =	sbarrier.arrive $0xFFFF  }
0x16a: {  	_ =	shalt  }

</sc_bundles>
